<compile_context>
chip_gen: v7x
topology: tpu7x:2x2x1
jax: 0.10.2.dev20260603
libtpu: 0.0.44.dev20260713+nightly
codegen_flags: <defaults>
</compile_context>

<pallas_src>
import jax
import jax.numpy as jnp
from jax.experimental import pallas as pl
from jax.experimental.pallas import tpu as pltpu

_BN_EPS = 1e-5


def _get_dists(a, b):
    d = jnp.sum(a * a, axis=-1)[:, :, None] + jnp.sum(b * b, axis=-1)[:, None, :] \
        - 2.0 * jnp.einsum('bmc,bnc->bmn', a, b)
    d = jnp.where(d < 1e-7, 1e-7, d)
    return jnp.sqrt(d)


def _fps(xyz, M):
    B, N, _ = xyz.shape
    def body(i, state):
        inds, dmin, far = state
        inds = inds.at[:, i].set(far)
        centroid = jnp.take_along_axis(xyz, far[:, None, None], axis=1)
        d = jnp.sum((xyz - centroid) ** 2, axis=-1)
        dmin = jnp.minimum(dmin, d)
        far = jnp.argmax(dmin, axis=-1).astype(jnp.int32)
        return inds, dmin, far
    inds0 = jnp.zeros((B, M), dtype=jnp.int32)
    dmin0 = jnp.full((B, N), 1e10, dtype=xyz.dtype)
    far0 = jnp.zeros((B,), dtype=jnp.int32)
    inds, _, _ = jax.lax.fori_loop(0, M, body, (inds0, dmin0, far0))
    return inds


def _gather_points(points, inds):
    if inds.ndim == 2:
        return jnp.take_along_axis(points, inds[:, :, None], axis=1)
    B, M, K = inds.shape
    out = jnp.take_along_axis(points, inds.reshape(B, M * K)[:, :, None], axis=1)
    return out.reshape(B, M, K, points.shape[-1])


def _ball_query(xyz, new_xyz, radius, K):
    B, M, _ = new_xyz.shape
    N = xyz.shape[1]
    dists = _get_dists(new_xyz, xyz)
    inds = jnp.broadcast_to(jnp.arange(N, dtype=jnp.int32), (B, M, N))
    inds = jnp.where(dists > radius, N, inds)
    inds = jnp.sort(inds, axis=-1)[:, :, :K]
    first = jnp.broadcast_to(inds[:, :, :1], inds.shape)
    inds = jnp.where(inds == N, first, inds)
    return inds


def _mlp(x, layers):
    for (W, g, b) in layers:
        x = jnp.einsum('...i,oi->...o', x, W)
        axes = tuple(range(x.ndim - 1))
        mean = jnp.mean(x, axis=axes, keepdims=True)
        var = jnp.mean((x - mean) ** 2, axis=axes, keepdims=True)
        x = g * (x - mean) / jnp.sqrt(var + _BN_EPS) + b
        x = jax.nn.relu(x)
    return x


def _sa_module(xyz, points, M, radius, K, layers, group_all):
    if group_all:
        new_xyz = jnp.zeros((xyz.shape[0], 1, 3), dtype=xyz.dtype)
        grouped = jnp.concatenate([xyz, points], axis=-1)[:, None, :, :]
    else:
        inds = _fps(xyz, M)
        new_xyz = _gather_points(xyz, inds)
        g_inds = _ball_query(xyz, new_xyz, radius, K)
        g_xyz = _gather_points(xyz, g_inds) - new_xyz[:, :, None, :]
        g_pts = _gather_points(points, g_inds)
        grouped = jnp.concatenate([g_xyz, g_pts], axis=-1)
    feat = _mlp(grouped, layers)
    return new_xyz, jnp.max(feat, axis=2)


def _fp_module(xyz1, xyz2, points1, points2, layers):
    B, N1, _ = xyz1.shape
    N2 = xyz2.shape[1]
    if N2 == 1:
        interp = jnp.broadcast_to(points2, (B, N1, points2.shape[-1]))
    else:
        dists = _get_dists(xyz1, xyz2)
        idx = jnp.argsort(dists, axis=-1)[:, :, :3]
        d3 = jnp.take_along_axis(dists, idx, axis=-1)
        w = 1.0 / (d3 + 1e-8)
        w = w / jnp.sum(w, axis=-1, keepdims=True)
        interp = jnp.sum(_gather_points(points2, idx) * w[:, :, :, None], axis=2)
    cat = jnp.concatenate([interp, points1], axis=-1)
    return _mlp(cat, layers)


def _head_kernel(feats_ref, conv1_ref, bn_g_ref, bn_b_ref, cls_w_ref, cls_b_ref,
                 out_ref):
    x = feats_ref[...]
    net = jnp.dot(x, conv1_ref[...].T, preferred_element_type=jnp.float32)
    mean = jnp.mean(net, axis=0, keepdims=True)
    var = jnp.mean((net - mean) ** 2, axis=0, keepdims=True)
    net = bn_g_ref[...] * (net - mean) / jnp.sqrt(var + _BN_EPS) + bn_b_ref[...]
    net = jnp.maximum(net, 0.0)
    out_ref[...] = jnp.dot(net, cls_w_ref[...].T,
                           preferred_element_type=jnp.float32) + cls_b_ref[...]


def kernel(l0_xyz, l0_points, params):
    B, N, _ = l0_xyz.shape
    l1_xyz, l1_points = _sa_module(l0_xyz, l0_points, 512, 0.2, 32, params['sa1'], False)
    l2_xyz, l2_points = _sa_module(l1_xyz, l1_points, 128, 0.4, 64, params['sa2'], False)
    l3_xyz, l3_points = _sa_module(l2_xyz, l2_points, None, None, None, params['sa3'], True)
    l2_points = _fp_module(l2_xyz, l3_xyz, l2_points, l3_points, params['fp1'])
    l1_points = _fp_module(l1_xyz, l2_xyz, l1_points, l2_points, params['fp2'])
    l0_feats = _fp_module(l0_xyz, l1_xyz,
                          jnp.concatenate([l0_points, l0_xyz], axis=-1),
                          l1_points, params['fp3'])

    nclasses = params['cls_w'].shape[0]
    flat = l0_feats.reshape(B * N, l0_feats.shape[-1])
    out = pl.pallas_call(
        _head_kernel,
        out_shape=jax.ShapeDtypeStruct((B * N, nclasses), jnp.float32),
    )(flat, params['conv1_w'], params['bn1_g'], params['bn1_b'],
      params['cls_w'], params['cls_b'])
    return jnp.transpose(out.reshape(B, N, nclasses), (0, 2, 1))

# --- scband reference (transcript-rebuilt; emitter-appended) ---
"""Pipeline reference for scband-pointnet2-seg-ssg-29111288332590 (READ-ONLY COPY).

The authoritative reference and input builder live on the scoring server;
editing this copy changes nothing except your own understanding.
"""

import jax, jax.numpy as jnp
import numpy as np

BN_EPS = 1e-5

def get_dists(a, b):
    d = jnp.sum(a * a, axis=-1)[:, :, None] + jnp.sum(b * b, axis=-1)[:, None, :] - 2.0 * jnp.einsum('bmc,bnc->bmn', a, b)
    d = jnp.where(d < 1e-7, 1e-7, d)
    return jnp.sqrt(d)

def fps(xyz, M):
    xyz = jax.lax.stop_gradient(xyz)
    B, N, _ = xyz.shape
    def body(i, state):
        inds, dmin, far = state
        inds = inds.at[:, i].set(far)
        centroid = jnp.take_along_axis(xyz, far[:, None, None], axis=1)
        d = jnp.sum((xyz - centroid) ** 2, axis=-1)
        dmin = jnp.minimum(dmin, d)
        far = jnp.argmax(dmin, axis=-1).astype(jnp.int32)
        return inds, dmin, far
    inds0 = jnp.zeros((B, M), dtype=jnp.int32)
    dmin0 = jnp.full((B, N), 1e10, dtype=xyz.dtype)
    far0 = jnp.zeros((B,), dtype=jnp.int32)
    inds, _, _ = jax.lax.fori_loop(0, M, body, (inds0, dmin0, far0))
    return inds

def gather_points(points, inds):
    if inds.ndim == 2:
        return jnp.take_along_axis(points, inds[:, :, None], axis=1)
    B, M, K = inds.shape
    out = jnp.take_along_axis(points, inds.reshape(B, M * K)[:, :, None], axis=1)
    return out.reshape(B, M, K, points.shape[-1])

def ball_query(xyz, new_xyz, radius, K):
    B, M, _ = new_xyz.shape
    N = xyz.shape[1]
    dists = get_dists(new_xyz, xyz)
    inds = jnp.broadcast_to(jnp.arange(N, dtype=jnp.int32), (B, M, N))
    inds = jnp.where(dists > radius, N, inds)
    inds = jnp.sort(inds, axis=-1)[:, :, :K]
    first = jnp.broadcast_to(inds[:, :, :1], inds.shape)
    inds = jnp.where(inds == N, first, inds)
    return inds

def mlp(x, layers):
    for (W, g, b) in layers:
        x = jnp.einsum('...i,oi->...o', x, W)
        axes = tuple(range(x.ndim - 1))
        mean = jnp.mean(x, axis=axes, keepdims=True)
        var = jnp.mean((x - mean) ** 2, axis=axes, keepdims=True)
        x = g * (x - mean) / jnp.sqrt(var + BN_EPS) + b
        x = jax.nn.relu(x)
    return x

def sa_module(xyz, points, M, radius, K, layers, group_all):
    if group_all:
        new_xyz = jnp.zeros((xyz.shape[0], 1, 3), dtype=xyz.dtype)
        grouped = jnp.concatenate([xyz, points], axis=-1)[:, None, :, :]
    else:
        inds = fps(xyz, M)
        new_xyz = gather_points(xyz, inds)
        g_inds = ball_query(xyz, new_xyz, radius, K)
        g_xyz = gather_points(xyz, g_inds) - new_xyz[:, :, None, :]
        g_pts = gather_points(points, g_inds)
        grouped = jnp.concatenate([g_xyz, g_pts], axis=-1)
    feat = mlp(grouped, layers)
    return new_xyz, jnp.max(feat, axis=2)

def fp_module(xyz1, xyz2, points1, points2, layers):
    B, N1, _ = xyz1.shape
    N2 = xyz2.shape[1]
    if N2 == 1:
        interp = jnp.broadcast_to(points2, (B, N1, points2.shape[-1]))
    else:
        dists = get_dists(xyz1, xyz2)
        idx = jnp.argsort(dists, axis=-1)[:, :, :3]
        d3 = jnp.take_along_axis(dists, idx, axis=-1)
        w = 1.0 / (d3 + 1e-8)
        w = w / jnp.sum(w, axis=-1, keepdims=True)
        interp = jnp.sum(gather_points(points2, idx) * w[:, :, :, None], axis=2)
    cat = jnp.concatenate([interp, points1], axis=-1)
    return mlp(cat, layers)

def forward(l0_xyz, l0_points, params):
    l1_xyz, l1_points = sa_module(l0_xyz, l0_points, 512, 0.2, 32, params['sa1'], False)
    l2_xyz, l2_points = sa_module(l1_xyz, l1_points, 128, 0.4, 64, params['sa2'], False)
    l3_xyz, l3_points = sa_module(l2_xyz, l2_points, None, None, None, params['sa3'], True)
    l2_points = fp_module(l2_xyz, l3_xyz, l2_points, l3_points, params['fp1'])
    l1_points = fp_module(l1_xyz, l2_xyz, l1_points, l2_points, params['fp2'])
    l0_feats = fp_module(l0_xyz, l1_xyz, jnp.concatenate([l0_points, l0_xyz], axis=-1), l1_points, params['fp3'])
    net = jnp.einsum('bnc,oc->bno', l0_feats, params['conv1_w'])
    mean = jnp.mean(net, axis=(0, 1), keepdims=True)
    var = jnp.mean((net - mean) ** 2, axis=(0, 1), keepdims=True)
    net = params['bn1_g'] * (net - mean) / jnp.sqrt(var + BN_EPS) + params['bn1_b']
    net = jax.nn.relu(net)
    net = jnp.einsum('bnc,oc->bno', net, params['cls_w']) + params['cls_b']
    return jnp.transpose(net, (0, 2, 1))

def _make_mlp_params(key, c_in, dims):
    layers = []
    for c_out in dims:
        key, k1 = jax.random.split(key)
        W = jax.random.normal(k1, (c_out, c_in), dtype=jnp.float32) * (1.0 / np.sqrt(c_in))
        layers.append((W, jnp.ones((c_out,), jnp.float32), jnp.zeros((c_out,), jnp.float32)))
        c_in = c_out
    return key, layers

def setup_inputs(seed: int = 0):
    key = jax.random.key(seed)
    k1, k2, k3, k4, k5 = jax.random.split(key, 5)
    B, N = 8, 4096
    nclasses = 13
    l0_xyz = jax.random.uniform(k1, (B, N, 3), dtype=jnp.float32)
    l0_points = jax.random.normal(k2, (B, N, 3), dtype=jnp.float32)
    pk = k3
    pk, sa1 = _make_mlp_params(pk, 6, [64, 64, 128])
    pk, sa2 = _make_mlp_params(pk, 131, [128, 128, 256])
    pk, sa3 = _make_mlp_params(pk, 259, [256, 512, 1024])
    pk, fp1 = _make_mlp_params(pk, 1280, [256, 256])
    pk, fp2 = _make_mlp_params(pk, 384, [256, 128])
    pk, fp3 = _make_mlp_params(pk, 134, [128, 128, 128])
    conv1_w = jax.random.normal(k4, (128, 128), jnp.float32) * (1.0 / np.sqrt(128))
    cls_w = jax.random.normal(k5, (nclasses, 128), jnp.float32) * (1.0 / np.sqrt(128))
    params = {'sa1': sa1, 'sa2': sa2, 'sa3': sa3, 'fp1': fp1, 'fp2': fp2, 'fp3': fp3,
              'conv1_w': conv1_w,
              'bn1_g': jnp.ones((128,), jnp.float32), 'bn1_b': jnp.zeros((128,), jnp.float32),
              'cls_w': cls_w, 'cls_b': jnp.zeros((nclasses,), jnp.float32)}
    return {'l0_xyz': l0_xyz, 'l0_points': l0_points, 'params': params}

def reference(l0_xyz, l0_points, params):
    return forward(l0_xyz, l0_points, params)

if __name__ == "__main__":
    import jax
    _d = setup_inputs()
    print(jax.jit(kernel)(*tuple(_d.values())))

</pallas_src>

<mosaic_0001>
module attributes {stable_mosaic.version = 14 : i64} {
  func.func @_head_kernel(%arg0: memref<32768x128xf32, #tpu.memory_space<vmem>>, %arg1: memref<128x128xf32, #tpu.memory_space<vmem>>, %arg2: memref<128xf32, #tpu.memory_space<vmem>>, %arg3: memref<128xf32, #tpu.memory_space<vmem>>, %arg4: memref<13x128xf32, #tpu.memory_space<vmem>>, %arg5: memref<13xf32, #tpu.memory_space<vmem>>, %arg6: memref<32768x13xf32, #tpu.memory_space<vmem>>) attributes {dimension_semantics = [], scalar_prefetch = 0 : i64, scratch_operands = 0 : i64, tpu.core_type = #tpu.core_type<tc>} {
    %get3A = arith.constant 0 : index
    %get3A_0 = arith.constant 0 : index
    %get3A_1 = vector.load %arg0[%get3A, %get3A_0] : memref<32768x128xf32, #tpu.memory_space<vmem>>, vector<32768x128xf32>
    %get3A_2 = arith.constant 0 : index
    %get3A_3 = arith.constant 0 : index
    %get3A_4 = vector.load %arg1[%get3A_2, %get3A_3] : memref<128x128xf32, #tpu.memory_space<vmem>>, vector<128x128xf32>
    %transpose3A = tpu.transpose %get3A_4, [1, 0] : vector<128x128xf32> -> vector<128x128xf32>
    %dot_general3A = arith.constant dense<0.000000e+00> : vector<32768x128xf32>
    %dot_general3A_5 = tpu.matmul %get3A_1, %transpose3A, %dot_general3A {dimension_numbers = #tpu.dot_dimension_numbers<[1], [0], [0], [1], [0, 0, 1, 1], [], []>, transpose_lhs_hint = false} : vector<32768x128xf32>, vector<128x128xf32>, vector<32768x128xf32> -> vector<32768x128xf32>
    %reduce_sum3A = arith.constant dense<0.000000e+00> : vector<128xf32>
    %reduce_sum3A_6 = vector.multi_reduction <add>, %dot_general3A_5, %reduce_sum3A [0] : vector<32768x128xf32> to vector<128xf32>
    %broadcast_in_dim3A = vector.shape_cast %reduce_sum3A_6 : vector<128xf32> to vector<1x128xf32>
    %div3A = arith.constant 3.276800e+04 : f32
    %div3A_7 = vector.broadcast %div3A : f32 to vector<1x128xf32>
    %div3A_8 = arith.divf %broadcast_in_dim3A, %div3A_7 : vector<1x128xf32>
    %sub3A = vector.broadcast %div3A_8 : vector<1x128xf32> to vector<32768x128xf32>
    %sub3A_9 = arith.subf %dot_general3A_5, %sub3A : vector<32768x128xf32>
    %integer_pow3A = arith.mulf %sub3A_9, %sub3A_9 : vector<32768x128xf32>
    %reduce_sum3A_10 = arith.constant dense<0.000000e+00> : vector<128xf32>
    %reduce_sum3A_11 = vector.multi_reduction <add>, %integer_pow3A, %reduce_sum3A_10 [0] : vector<32768x128xf32> to vector<128xf32>
    %broadcast_in_dim3A_12 = vector.shape_cast %reduce_sum3A_11 : vector<128xf32> to vector<1x128xf32>
    %div3A_13 = arith.constant 3.276800e+04 : f32
    %div3A_14 = vector.broadcast %div3A_13 : f32 to vector<1x128xf32>
    %div3A_15 = arith.divf %broadcast_in_dim3A_12, %div3A_14 : vector<1x128xf32>
    %get3A_16 = arith.constant 0 : index
    %get3A_17 = vector.load %arg2[%get3A_16] : memref<128xf32, #tpu.memory_space<vmem>>, vector<128xf32>
    %sub3A_18 = vector.broadcast %div3A_8 : vector<1x128xf32> to vector<32768x128xf32>
    %sub3A_19 = arith.subf %dot_general3A_5, %sub3A_18 : vector<32768x128xf32>
    %broadcast_in_dim3A_20 = vector.shape_cast %get3A_17 : vector<128xf32> to vector<1x128xf32>
    %mul3A = vector.broadcast %broadcast_in_dim3A_20 : vector<1x128xf32> to vector<32768x128xf32>
    %mul3A_21 = arith.mulf %mul3A, %sub3A_19 : vector<32768x128xf32>
    %add3A = arith.constant 9.99999974E-6 : f32
    %add3A_22 = vector.broadcast %add3A : f32 to vector<1x128xf32>
    %add3A_23 = arith.addf %div3A_15, %add3A_22 : vector<1x128xf32>
    %sqrt3A = math.sqrt %add3A_23 : vector<1x128xf32>
    %div3A_24 = vector.broadcast %sqrt3A : vector<1x128xf32> to vector<32768x128xf32>
    %div3A_25 = arith.divf %mul3A_21, %div3A_24 : vector<32768x128xf32>
    %get3A_26 = arith.constant 0 : index
    %get3A_27 = vector.load %arg3[%get3A_26] : memref<128xf32, #tpu.memory_space<vmem>>, vector<128xf32>
    %broadcast_in_dim3A_28 = vector.shape_cast %get3A_27 : vector<128xf32> to vector<1x128xf32>
    %add3A_29 = vector.broadcast %broadcast_in_dim3A_28 : vector<1x128xf32> to vector<32768x128xf32>
    %add3A_30 = arith.addf %div3A_25, %add3A_29 : vector<32768x128xf32>
    %max3A = arith.constant 0.000000e+00 : f32
    %max3A_31 = vector.broadcast %max3A : f32 to vector<32768x128xf32>
    %max3A_32 = arith.maximumf %add3A_30, %max3A_31 : vector<32768x128xf32>
    %get3A_33 = arith.constant 0 : index
    %get3A_34 = arith.constant 0 : index
    %get3A_35 = vector.load %arg4[%get3A_33, %get3A_34] : memref<13x128xf32, #tpu.memory_space<vmem>>, vector<13x128xf32>
    %transpose3A_36 = tpu.transpose %get3A_35, [1, 0] : vector<13x128xf32> -> vector<128x13xf32>
    %dot_general3A_37 = arith.constant dense<0.000000e+00> : vector<32768x13xf32>
    %dot_general3A_38 = tpu.matmul %max3A_32, %transpose3A_36, %dot_general3A_37 {dimension_numbers = #tpu.dot_dimension_numbers<[1], [0], [0], [1], [0, 0, 1, 1], [], []>, transpose_lhs_hint = false} : vector<32768x128xf32>, vector<128x13xf32>, vector<32768x13xf32> -> vector<32768x13xf32>
    %get3A_39 = arith.constant 0 : index
    %get3A_40 = vector.load %arg5[%get3A_39] : memref<13xf32, #tpu.memory_space<vmem>>, vector<13xf32>
    %broadcast_in_dim3A_41 = vector.shape_cast %get3A_40 : vector<13xf32> to vector<1x13xf32>
    %add3A_42 = vector.broadcast %broadcast_in_dim3A_41 : vector<1x13xf32> to vector<32768x13xf32>
    %add3A_43 = arith.addf %dot_general3A_38, %add3A_42 : vector<32768x13xf32>
    %swap3A = arith.constant 0 : index
    %swap3A_44 = arith.constant 0 : index
    %swap3A_45 = vector.load %arg6[%swap3A, %swap3A_44] : memref<32768x13xf32, #tpu.memory_space<vmem>>, vector<32768x13xf32>
    tpu.vector_store %arg6[%swap3A, %swap3A_44], %add3A_43 {strides = array<i32>} : memref<32768x13xf32, #tpu.memory_space<vmem>>, vector<32768x13xf32>,
    return
  }
}

</mosaic_0001>

<sc_bundles>
// kernel: gather_offload_async_start.1
scs
__scs_entry_jumppad:
0x0: {  	(pc) =	sbr.rel $0x88, $3  }
0x1: {  	(tag) =	ssettag $0x0;
	lr =	simm.s32 $0x1  }
0x2: {  	[smem:$0x3F6A] =	sst lr;
	_ =	strace $0xD0000000  }
0x3: {  	_ = 	snop  }
0x4: {  	_ = 	snop  }
0x5: {  	_ = 	snop  }
0x6: {  	_ = 	snop  }
0x7: {  	_ = 	snop  }
__scs_overlays_trampoline_lowered:
0x8: {  	[smem:$0x3F79] =	sst s0  }
0x9: {  	[smem:$0x3F7A] =	sst s1  }
0xa: {  	[smem:$0x3F7B] =	sst s2  }
0xb: {  	[smem:$0x3F7C] =	sst s3  }
0xc: {  	[smem:$0x3F7D] =	sst s4  }
0xd: {  	[smem:$0x3F7E] =	sst s5  }
0xe: {  	[smem:$0x3F7F] =	sst s6  }
0xf: {  	[smem:$0x3F80] =	sst s7  }
0x10: {  	[smem:$0x3F81] =	sst s8  }
0x11: {  	[smem:$0x3F82] =	sst s9;
	s0 =	simm.s32 @!p0 $0x0  }
0x12: {  	s1 =	sld [smem:$0x3F68];
	s0 =	simm.s32 @p0 $0x1  }
0x13: {  	[smem:$0x3F83] =	sst s0;
	s0 =	simm.s32 @!p1 $0x0  }
0x14: {  	s2 =	sld [smem:$0x3F67];
	s0 =	simm.s32 @p1 $0x1  }
0x15: {  	[smem:$0x3F84] =	sst s0;
	s0 =	simm.s32 @!p2 $0x0  }
0x16: {  	s3 =	sld [smem:$0x3FDB];
	s0 =	simm.s32 @p2 $0x1  }
0x17: {  	s4 =	simm.s32 $0x1BF5;
	[smem:$0x3F86] =	sst s0  }
0x18: {  	s0 =	sld [smem:$0x3F69];
	_ =	swait.ge [sflag:s4], $0x0  }
0x19: {  	s7 =	sld [smem:$0x3F6A]  }
0x1a: {  	s8 =	sadd.s32 $0xFFFFE003, lr  }
0x1b: {  	s9 =	sadd.s32 $0xFFFFFEF7, lr;
	s5 =	simm.s32 $0xFFFFFFFF;
	p2 =	slt.u32 s8, $0xFFFFF086  }
0x1c: {  	p1 =	slt.u32 s9, $0xF7A;
	s5 =	simm.s32 @!p2 $0x0  }
0x1d: {  	s5 =	simm.s32 @p1 $0x1;
	p0 =	seq.s32 s7, s2  }
0x1e: {  	s7 =	smul.u32 @!p0 $0xF7A, s2;
	p2 =	seq.s32 @!p0 s5, $0x0  }
0x1f: {  	s9 =	smul.u32 $0xF7A, s1;
	s8 =	simm.s32 @!p0 $0x1BF5;
	p2 =	por !p2, p0  }
0x20: {  	[sflag:s8] =	ssyncset.s32 @!p0 $0xFFFFF086;
	s6 =	sadd.s32 @!p0 s3, s7;
	s7 =	simm.s32 @!p0 $0x108  }
0x21: {  	s3 =	sadd.s32 s3, s9;
	s6 =	sadd.s32 @!p0 $0x88, s6;
	s7 =	simm.s32 @p2 $0x1082  }
0x22: {  	[simem:s7], [sflag:s8] =	dma.local @!p0 [hbm:s6], $0xF7A  }
0x23: {  	s9 =	sor.u32 $0xD0000000, s2;
	s6 =	simm.s32 $0x108;
	_ =	swait.ge @!p0 [sflag:s8], $0x0  }
0x24: {  	s3 =	sadd.s32 $0x88, s3;
	s6 =	simm.s32 @!p1 $0x1082;
	[sflag:s4] =	ssyncset.s32 $0xFFFFF086  }
0x25: {  	[simem:s6], [sflag:s4] =	dma.local [hbm:s3], $0xF7A  }
0x26: {  	[smem:$0x3F6A] =	sst s1;
	(tag) =	ssettag s2;
	_ =	strace s9  }
0x27: {  	s1 =	sld [smem:$0x3F7A]  }
0x28: {  	s2 =	sld [smem:$0x3F7B]  }
0x29: {  	s4 =	sld [smem:$0x3F7D]  }
0x2a: {  	p0 =	seq.s32 s5, $0x0;
	s5 =	sld [smem:$0x3F7E]  }
0x2b: {  	s6 =	sld [smem:$0x3F7F]  }
0x2c: {  	s7 =	sld [smem:$0x3F80]  }
0x2d: {  	s3 =	simm.s32 $0x108;
	s8 =	sld [smem:$0x3F81]  }
0x2e: {  	s3 =	simm.s32 @!p0 $0x1082;
	s9 =	sld [smem:$0x3F82]  }
0x2f: {  	lr =	sadd.s32 s0, s3;
	s0 =	sld [smem:$0x3F79]  }
0x30: {  	s3 =	sld [smem:$0x3F7C]  }
0x31: {  	[smem:$0x3F85] =	sst s10  }
0x32: {  	s10 =	sld [smem:$0x3F83];
	_ =	sdelay $0x3  }
0x33: {  	p0 =	seq.s32 s10, $0x1;
	s10 =	sld [smem:$0x3F85];
	_ =	sdelay $0x3  }
0x34: {  	[smem:$0x3F85] =	sst s10  }
0x35: {  	s10 =	sld [smem:$0x3F84];
	_ =	sdelay $0x3  }
0x36: {  	p1 =	seq.s32 s10, $0x1;
	s10 =	sld [smem:$0x3F85];
	_ =	sdelay $0x3  }
0x37: {  	[smem:$0x3F85] =	sst s10  }
0x38: {  	s10 =	sld [smem:$0x3F86]  }
0x39: {  	_ = 	snop;
	(pc) =	sbr.ind lr, $3  }
0x3a: {  	_ = 	snop  }
0x3b: {  	_ = 	snop  }
0x3c: {  	p2 =	seq.s32 s10, $0x1;
	s10 =	sld [smem:$0x3F85]  }
0x3d: {  	_ =	shalt  }
0x3e: {  	_ =	shalt  }
0x3f: {  	_ =	shalt  }
0x40: {  	_ =	shalt  }
0x41: {  	_ =	shalt  }
0x42: {  	_ =	shalt  }
0x43: {  	_ =	shalt  }
0x44: {  	_ =	shalt  }
0x45: {  	_ =	shalt  }
0x46: {  	_ =	shalt  }
0x47: {  	_ =	shalt  }
0x48: {  	_ =	shalt  }
0x49: {  	_ =	shalt  }
0x4a: {  	_ =	shalt  }
0x4b: {  	_ =	shalt  }
0x4c: {  	_ =	shalt  }
0x4d: {  	_ =	shalt  }
0x4e: {  	_ =	shalt  }
0x4f: {  	_ =	shalt  }
0x50: {  	_ =	shalt  }
0x51: {  	_ =	shalt  }
0x52: {  	_ =	shalt  }
0x53: {  	_ =	shalt  }
0x54: {  	_ =	shalt  }
0x55: {  	_ =	shalt  }
0x56: {  	_ =	shalt  }
0x57: {  	_ =	shalt  }
0x58: {  	_ =	shalt  }
0x59: {  	_ =	shalt  }
0x5a: {  	_ =	shalt  }
0x5b: {  	_ =	shalt  }
0x5c: {  	_ =	shalt  }
0x5d: {  	_ =	shalt  }
0x5e: {  	_ =	shalt  }
0x5f: {  	_ =	shalt  }
0x60: {  	_ =	shalt  }
0x61: {  	_ =	shalt  }
0x62: {  	_ =	shalt  }
0x63: {  	_ =	shalt  }
0x64: {  	_ =	shalt  }
0x65: {  	_ =	shalt  }
0x66: {  	_ =	shalt  }
0x67: {  	_ =	shalt  }
0x68: {  	_ =	shalt  }
0x69: {  	_ =	shalt  }
0x6a: {  	_ =	shalt  }
0x6b: {  	_ =	shalt  }
0x6c: {  	_ =	shalt  }
0x6d: {  	_ =	shalt  }
0x6e: {  	_ =	shalt  }
0x6f: {  	_ =	shalt  }
0x70: {  	_ =	shalt  }
0x71: {  	_ =	shalt  }
0x72: {  	_ =	shalt  }
0x73: {  	_ =	shalt  }
0x74: {  	_ =	shalt  }
0x75: {  	_ =	shalt  }
0x76: {  	_ =	shalt  }
0x77: {  	_ =	shalt  }
0x78: {  	_ =	shalt  }
0x79: {  	_ =	shalt  }
0x7a: {  	_ =	shalt  }
0x7b: {  	_ =	shalt  }
0x7c: {  	_ =	shalt  }
0x7d: {  	_ =	shalt  }
0x7e: {  	_ =	shalt  }
0x7f: {  	_ =	shalt  }
0x80: {  	_ =	shalt  }
0x81: {  	_ =	shalt  }
0x82: {  	_ =	shalt  }
0x83: {  	_ =	shalt  }
0x84: {  	_ =	shalt  }
0x85: {  	_ =	shalt  }
0x86: {  	_ =	shalt  }
0x87: {  	_ =	shalt  }
.Lfunc_end0:
.L_simem_size_0:
called_computation.1_lowered:
.L_overlay_start_0:
0x88: {  	s2 =	sld [smem:$0x3FD9]  }
0x89: {  	s3 =	sld [smem:$0x3FFE];
	_ =	sdelay $0x1  }
0x8a: {  	s1 =	srdreg.scid  }
0x8b: {  	s0 =	sand.u32 $0x1, s1  }
0x8c: {  	s16 =	sshll.u32 s0, $0xA;
	s2 =	sadd.s32 s3, s2  }
0x8d: {  	s2 =	sadd.s32 s2, s16  }
0x8e: {  	[smem:$0x3F91] =	sst s2  }
0x8f: {  	_ = 	snop  }
0x90: {  	(tm) =	ssettm $0x1  }
0x91: {  	s17 =	sld [smem:$0x3FFB];
	_ =	sdelay $0x3  }
0x92: {  	_ =	strace s17  }
0x93: {  	s2 =	sld [smem:$0x3FFC];
	_ =	sdelay $0x3  }
0x94: {  	_ =	strace s2  }
0x95: {  	s2 =	sld [smem:$0x3FFD];
	_ =	sdelay $0x3  }
0x96: {  	_ =	strace s2  }
0x97: {  	_ =	strace $0x8FFFFFFF  }
0x98: {  	s18 =	sld [smem:$0x3FDB];
	_ =	sdelay $0x1  }
0x99: {  	s19 =	simm.s32 $_scs_section_size  }
0x9a: {  	s4 =	simm.s32 $_size__tile_overlayer_lowered;
	s5 =	simm.s32 $_tile_overlayer_lowered  }
0x9b: {  	s22 =	simm.s32 $0x1BFF;
	s21 =	sshll.u32 s5, $0x1;
	s2 =	sadd.s32 s19, s18  }
0x9c: {  	s6 =	simm.s32 $0x0;
	s20 =	sshll.u32 s4, $0x1;
	s4 =	sadd.s32 s21, s2  }
0x9d: {  	[timem:s6], [sflag:s22] =	dma.local [hbm:s4], s20  }
0x9e: {  	_ =	swait.ge [sflag:s22], s20  }
0x9f: {  	s3 =	ssub.s32 $0x0, s20;
	[sflag:s22] =	ssyncset.done $0x0  }
0xa0: {  	[sflag:s22] =	ssyncadd.s32 s3;
	_ =	sdelay $0x1  }
0xa1: {  	s23 =	simm.s32 $0x1B8B  }
0xa2: {  	_ =	swait.ge [sflag:s23], $0x1  }
0xa3: {  	[sflag:s23] =	ssyncset.done $0x0  }
0xa4: {  	s25 =	simm.s32 $0x1B8E;
	s24 =	sld [smem:$0x3FFE];
	[sflag:s23] =	ssyncadd.s32 $0xFFFFFFFF  }
0xa5: {  	s26 =	simm.s32 $execute0_lowered;
	[smem:$0x3FD2] =	sst s25  }
0xa6: {  	s4 =	sshll.u32 s26, $0x1;
	_ =	strace $0x80000049;
	[dreg:$0x1] =	wrdreg $0xFFFFFFFF  }
0xa7: {  	s28 =	simm.s32 $_size_execute0_lowered;
	s2 =	sadd.s32 s2, s4;
	[dreg:$0x0] =	wrdreg $0x0  }
0xa8: {  	s4 =	sshll.u32 s28, $0x1;
	[dreg:$0x2] =	wrdreg s2  }
0xa9: {  	[dreg:$0x3] =	wrdreg s4  }
0xaa: {  	[dreg:$0x4] =	wrdreg $0xC0  }
0xab: {  	_ =	task [dreg:s6], $0x5FFFF  }
0xac: {  	[dreg:$0x1] =	wrdreg $0xFFFFFFFF  }
0xad: {  	[dreg:$0x0] =	wrdreg $0x60  }
0xae: {  	[dreg:$0x2] =	wrdreg s24  }
0xaf: {  	[dreg:$0x3] =	wrdreg $0x9  }
0xb0: {  	_ =	task.clear_ibuf [dreg:s6], $0x4FFFF;
	_ =	strace $0x90000049  }
0xb1: {  	s29 =	simm.s32 $0x9;
	_ =	strace $0x8000004B  }
0xb2: {  	_ =	swait.ge [sflag:s29], $0x1  }
0xb3: {  	[sflag:s29] =	ssyncadd.s32 $0xFFFFFFFF  }
0xb4: {  	_ =	strace $0x9000004B  }
0xb5: {  	_ =	sfence  }
0xb6: {  	s30 =	sld [smem:$0x0];
	_ =	sdelay $0x2  }
0xb7: {  	s31 =	sshll.u32 s1, $0xD;
	s1 =	sshrl.u32 s1, $0x2  }
0xb8: {  	s3 =	sand.u32 $0x4000, s31;
	s1 =	sadd.s32 s1, s30  }
0xb9: {  	s0 =	sor.u32 s3, s0;
	s1 =	sshll.u32 s1, $0x11  }
0xba: {  	s0 =	sor.u32 s1, s0  }
0xbb: {  	s0 =	sadd.s32 $0x8F2B, s0  }
0xbc: {  	[sflag:s0] =	ssyncadd.remote.s32 $0x1  }
0xbd: {  	_ =	sfence.sel $0xFFFF  }
0xbe: {  	[dreg:$0x0] =	wrdreg $0xFFFFFFFF;
	(pc) =	sbr.abs _section_cstart, $3  }
0xbf: {  	[dreg:$0x1] =	wrdreg $0xFFFFFFFF  }
0xc0: {  	_ =	task.clear_ibuf [dreg:s6], $0x2FFFF;
	_ =	strace $0x9FFFFFFF  }
0xc1: {  	(tm) =	ssettm $0x7FFFFFFF  }
tec
execute0_lowered:
.L_overlay_start_1:
0x0: {  	(tag) =	ssettag $0x1  }
0x1: {  	s0 =	srdreg.scid;
	s5 =	rddreg [dreg:$0x0]  }
0x2: {  	s1 =	stileid.u32;
	s6 =	simm.s32 $0x1;
	s9 =	simm.s32 $0x1  }
0x3: {  	s10 =	simm.s32 $0x3;
	s13 =	simm.s32 $0x0;
	s2 =	sshll.u32 s0, $0x8  }
0x4: {  	s12 =	simm.s32 $0x0;
	s3 =	sshll.u32 s1, $0x9;
	s2 =	sand.u32 $0x100, s2  }
0x5: {  	s0 =	rddreg [dreg:$0x1];
	_ =	strace $0x8000004A;
	s2 =	sor.u32 s3, s2  }
0x6: {  	s4 =	sadd.s32 $0x185E00, s5;
	[sflag:s6] =	ssyncpa.u1 $0x0;
	s8 =	ssub.s32 $0x3000, s2  }
.Ltmp0:
0x7: {  	s3 =	sadd.s32 $0xD4600, s5;
	s7 =	sand.u32 $0x1F00, s8;
	(pc) =	sbr.rel .LBB2_1-.Ltmp0, $4  }
0x8: {  	s5 =	sadd.s32 $0x83000, s5;
	s11 =	smov.u32 s2;
	p0 =	sne.s32 s7, $0x0  }
0x9: {  	s8 =	sshrl.u32 s8, $0xD;
	s7 =	simm.s32 $0x2;
	s9 =	simm.s32 @!p0 $0x0  }
0xa: {  	[sflag:s7] =	ssyncpa.u1 $0x0;
	p0 =	por $0x0, $0x0;
	s8 =	sadd.s32 s9, s8  }
0xb: {  	vm0 =	vmmov $0xffff;
	[sflag:s10] =	ssyncpa.u1 $0x0;
	s10 =	simm.s32 $0x0;
	s9 =	sadd.s32 $0x1, s8  }
.LBB2_4:
0xc: {  	v3 =	vshrl.u32 v0, $0xC;
	v62 =	vshll.u32 v0, $0x10;
	v2 =	vand.u32 $0xFF80, v2  }
0xd: {  	v3 =	vand.u32 $0x7F, v3;
	v0 =	vand.u32 $0x70000, v62;
	v2 =	vsel vm1, $0xFFFFFF80, v2  }
0xe: {  	v3 =	vsel vm1, $0xFFFFFFFF, v3;
	v0 =	vsel vm1, $0xFFFF0000, v0;
	v4 =	vand.u32 $0xFFFFFC00, v2  }
0xf: {  	v0 =	vadd.s32 v0, v4;
	v63 =	vand.u32 $0xFFFFFC00, v3  }
0x10: {  	v2 =	vand.u32 $0x380, v2;
	v0 =	vadd.s32 v63, v0  }
0x11: {  	v3 =	vand.u32 $0x7F, v3;
	v0 =	vor.u32 v2, v0  }
0x12: {  	v0 =	vor.u32 v3, v0;
	_ =	sdelay $0x1  }
0x13: {  	(ifvalue) =	ssetifvalue $0x7FFFFFFF;
	s15 =	sadd.s32 $0x10, s15  }
0x14: {  	[tilespmem:s15], [sflag:$0x1] =	stream.indirect_vreg.gather [hbm4b:s3+s10], $0x1, v1, vm0, $0x4038;
	[tilespmem:$0x400] =	vst v63  }
0x15: {  	(ifvalue) =	ssetifvalue $0x7FFFFFFF;
	s15 =	sadd.s32 $0x10, s15  }
0x16: {  	[tilespmem:s15], [sflag:$0x1] =	stream.indirect_vreg.gather [hbm4b:s3+s10], $0x1, v0, vm0, $0x4038;
	[tilespmem:$0x400] =	vst v63  }
0x17: {  	_ =	swait.ge [sflag:s6], $0x100  }
0x18: {  	s30 =	sshrl.u32 s13, $0x3;
	[sflag:s6] =	ssyncset.done $0x0  }
0x19: {  	s31 =	sand.u32 $0x7, s13;
	s15 =	sadd.s32 s5, s30;
	[sflag:s6] =	ssyncadd.s32 $0xFFFFFF00  }
0x1a: {  	[hbm4b:s15+s31] =	stream.linear.scatter [tilespmem:s14], [sflag:$0x3], $0x100, $0x38;
	[tilespmem:$0x400] =	vst v63  }
.LBB2_5:
0x1b: {  	s15 =	sadd.s32 $0x2000, s11  }
0x1c: {  	p2 =	sgt.s32 s15, $0x2FFF  }
0x1d: {  	s15 =	smov.u32 @p2 s2;
	p2 =	sne.s32 s12, s9  }
.Ltmp1:
0x1e: {  	p1 =	slt.u32 s12, $0x2;
	(pc) =	sbr.rel @!p2 .LBB2_6-.Ltmp1, $4  }
0x1f: {  	s14 =	simm.s32 @!p1 $0x3  }
0x20: {  	s16 =	sadd.s32 $0x1, s12;
	_ =	swait.ge @!p1 [sflag:s14], $0x100  }
0x21: {  	s13 =	smov.u32 s11;
	p0 =	por !p0, !p0;
	[sflag:s14] =	ssyncset.done @!p1 $0x0  }
0x22: {  	s12 =	smov.u32 s16;
	s11 =	smov.u32 s15;
	[sflag:s14] =	ssyncadd.s32 @!p1 $0xFFFFFF00  }
.LBB2_1:
0x23: {  	p1 =	sge.u32 s12, s8  }
0x24: {  	s14 =	sxor.u32 @!p1 $0xFFFFFFFF, s12  }
0x25: {  	s31 =	sadd.s32 $0xFFFFFFFF, s12;
	s15 =	sshrl.u32 @!p1 s11, $0x3;
	s14 =	sshll.u32 @!p1 s14, $0x8  }
0x26: {  	s16 =	sand.u32 @!p1 $0x7, s11;
	s15 =	sadd.s32 @!p1 s4, s15;
	s14 =	sand.u32 @!p1 $0x100, s14  }
0x27: {  	[tilespmem:s14], [sflag:$0x2] =	stream.linear.gather @!p1 [hbm4b:s15+s16], $0x100, $0x38;
	[tilespmem:$0x400] =	vst v63  }
0x28: {  	p1 =	sge.u32 s31, s8  }
.Ltmp2:
0x29: {  	_ = 	snop;
	(pc) =	sbr.rel @p1 .LBB2_5-.Ltmp2, $1  }
0x2a: {  	_ =	sdelay $0x3  }
0x2b: {  	s14 =	simm.s32 $0x1  }
0x2c: {  	_ =	swait.ge [sflag:s7], $0x100;
	s14 =	simm.s32 @!p0 $0x0  }
0x2d: {  	[sflag:s7] =	ssyncset.done $0x0;
	s14 =	sshll.u32 s14, $0x8  }
0x2e: {  	[sflag:s7] =	ssyncadd.s32 $0xFFFFFF00;
	(ifvalue) =	ssetifvalue $0x7FFFFFFF;
	v0 =	vld.msk [tilespmem:s14+$0x0 ss:$0x1], $0xffff;
	_ =	sdelay $0x2  }
0x2f: {  	s15 =	sadd.s32 $0x10, s14  }
0x30: {  	v3 =	vld.msk [tilespmem:s15+$0x0 ss:$0x1], $0xffff  }
0x31: {  	vm1 =	veq.s32 v0, $0x80000000;
	v1 =	vshll.u32 v0, $0x4  }
0x32: {  	v2 =	vshrl.u32 v0, $0xC;
	v0 =	vshll.u32 v0, $0x10;
	v1 =	vand.u32 $0xFF80, v1  }
0x33: {  	v2 =	vand.u32 $0x7F, v2;
	v0 =	vand.u32 $0x70000, v0;
	v1 =	vsel vm1, $0xFFFFFF80, v1  }
0x34: {  	v2 =	vsel vm1, $0xFFFFFFFF, v2;
	v0 =	vsel vm1, $0xFFFF0000, v0;
	v4 =	vand.u32 $0xFFFFFC00, v1  }
0x35: {  	v62 =	vshrl.u32 v3, $0xC;
	v61 =	vand.u32 $0xFFFFFC00, v2;
	v0 =	vadd.s32 v0, v4  }
0x36: {  	vm1 =	veq.s32 v3, $0x80000000;
	v1 =	vand.u32 $0x380, v1;
	v0 =	vadd.s32 v61, v0  }
0x37: {  	v2 =	vand.u32 $0x7F, v2;
	v0 =	vor.u32 v1, v0;
	v1 =	vshll.u32 v3, $0x4  }
0x38: {  	s17 =	sadd.s32 $0x10, s15;
	v4 =	vand.u32 $0x7F, v62;
	v3 =	vshll.u32 v3, $0x10;
	v1 =	vand.u32 $0xFF80, v1  }
0x39: {  	v2 =	vor.u32 v2, v0;
	v0 =	vld.msk [tilespmem:s17+$0x0 ss:$0x1], $0xffff;
	v3 =	vand.u32 $0x70000, v3;
	v1 =	vsel vm1, $0xFFFFFF80, v1  }
0x3a: {  	v4 =	vsel vm1, $0xFFFFFFFF, v4;
	v3 =	vsel vm1, $0xFFFF0000, v3;
	v5 =	vand.u32 $0xFFFFFC00, v1  }
0x3b: {  	s31 =	sshll.u32 s12, $0x8;
	v63 =	vand.u32 $0xFFFFFC00, v4;
	v3 =	vadd.s32 v3, v5  }
0x3c: {  	s16 =	simm.s32 $0x20;
	s15 =	sor.u32 $0x200, s14;
	s14 =	sand.u32 $0x100, s31;
	v1 =	vand.u32 $0x380, v1;
	v3 =	vadd.s32 v63, v3  }
0x3d: {  	s14 =	sor.u32 $0x200, s14;
	v4 =	vand.u32 $0x7F, v4;
	(ifvalue) =	ssetifvalue $0x7FFFFFFF;
	s17 =	sadd.s32 $0x10, s17;
	v1 =	vor.u32 v1, v3  }
0x3e: {  	[tilespmem:s15], [sflag:$0x1] =	stream.indirect_vreg.gather [hbm4b:s3+s10], $0x1, v2, vm0, $0x4038;
	vm1 =	veq.s32 v0, $0x80000000;
	v2 =	vshll.u32 v0, $0x4;
	v1 =	vor.u32 v4, v1;
	[tilespmem:$0x400] =	vst v63  }
.LBB2_3:
0x3f: {  	s16 =	sadd.s32 $0x10, s16;
	v3 =	vshrl.u32 v0, $0xC;
	v4 =	vshll.u32 v0, $0x10;
	v0 =	vld.msk [tilespmem:s17+$0x0 ss:$0x1], $0xffff;
	v2 =	vand.u32 $0xFF80, v2  }
0x40: {  	p1 =	slt.u32 s16, $0xF0;
	v3 =	vand.u32 $0x7F, v3;
	v4 =	vand.u32 $0x70000, v4;
	v2 =	vsel vm1, $0xFFFFFF80, v2  }
.Ltmp3:
0x41: {  	v3 =	vsel vm1, $0xFFFFFFFF, v3;
	v4 =	vsel vm1, $0xFFFF0000, v4;
	v5 =	vand.u32 $0xFFFFFC00, v2;
	(pc) =	sbr.rel @p1 .LBB2_3-.Ltmp3, $4  }
0x42: {  	s15 =	sadd.s32 $0x10, s15;
	v4 =	vadd.s32 v4, v5;
	v5 =	vand.u32 $0xFFFFFC00, v3;
	(ifvalue) =	ssetifvalue $0x7FFFFFFF  }
0x43: {  	v2 =	vand.u32 $0x380, v2;
	v4 =	vadd.s32 v5, v4;
	[tilespmem:s15], [sflag:$0x1] =	stream.indirect_vreg.gather [hbm4b:s3+s10], $0x1, v1, vm0, $0x4038;
	[tilespmem:$0x400] =	vst v63  }
0x44: {  	v1 =	vand.u32 $0x7F, v3;
	v3 =	vor.u32 v2, v4  }
0x45: {  	s17 =	sadd.s32 $0x10, s17;
	vm1 =	veq.s32 v0, $0x80000000;
	v2 =	vshll.u32 v0, $0x4;
	v1 =	vor.u32 v1, v3  }
.Ltmp4:
0x46: {  	_ = 	snop;
	(pc) =	sbr.rel .LBB2_4-.Ltmp4, $1  }
0x47: {  	_ =	sdelay $0x3  }
.LBB2_6:
0x48: {  	_ =	sfence.sel $0x180000  }
0x49: {  	s2 =	simm.s32 $0x2;
	[bflag:$0x0] =	sbarrier.arrive $0xFFFF  }
0x4a: {  	s30 =	simm.s32 $0x3;
	[sflag:s2] =	ssyncpa.u1 $0x1  }
0x4b: {  	s31 =	simm.s32 $0x1;
	[sflag:s30] =	ssyncpa.u1 $0x1  }
0x4c: {  	[sflag:s31] =	ssyncpa.u1 $0x1  }
0x4d: {  	p0 =	sne.s32 s1, $0x0;
	_ =	strace $0x9000004A  }
0x4e: {  	s0 =	sadd.s32 @!p0 $0x100000, s0;
	[bflag:$0x2] =	sbarrier.arrive $0xFFFF  }
0x4f: {  	[sflag:s0] =	ssyncadd.tile.s32 @!p0 $0x1;
	_ =	shalt  }
.Lfunc_end2:
_tile_overlayer_lowered:
.L_overlay_start_2:
0x50: {  	(tag) =	ssettag $0x2  }
0x51: {  	s0 =	rddreg [dreg:$0x0];
	s2 =	stileid.u32  }
0x52: {  	s1 =	rddreg [dreg:$0x1];
	p0 =	sne.s32 s2, $0x0  }
0x53: {  	s3 =	rddreg [dreg:$0x2];
	[bflag:$0x3] =	sbarrier.arrive $0xFFFF;
	s2 =	simm.s32 @!p0 $0x1C01  }
0x54: {  	[timem:s3], [sflag:s2] =	dma.local @!p0 [hbm:s0], s1  }
0x55: {  	s0 =	simm.s32 @!p0 $0x1  }
0x56: {  	_ =	swait.ge @!p0 [sflag:s0], s1  }
0x57: {  	s1 =	ssub.s32 @!p0 $0x0, s1;
	[sflag:s0] =	ssyncset.done @!p0 $0x0  }
0x58: {  	[sflag:s0] =	ssyncadd.s32 @!p0 s1  }
0x59: {  	[bflag:$0x3] =	sbarrier.arrive $0xFFFF  }
0x5a: {  	_ =	shalt  }

// kernel: gather_offload_async_start.2
scs
__scs_entry_jumppad:
0x0: {  	(pc) =	sbr.rel $0x88, $3  }
0x1: {  	(tag) =	ssettag $0x0;
	lr =	simm.s32 $0x1  }
0x2: {  	[smem:$0x3F6A] =	sst lr;
	_ =	strace $0xD0000000  }
0x3: {  	_ = 	snop  }
0x4: {  	_ = 	snop  }
0x5: {  	_ = 	snop  }
0x6: {  	_ = 	snop  }
0x7: {  	_ = 	snop  }
__scs_overlays_trampoline_lowered:
0x8: {  	[smem:$0x3F79] =	sst s0  }
0x9: {  	[smem:$0x3F7A] =	sst s1  }
0xa: {  	[smem:$0x3F7B] =	sst s2  }
0xb: {  	[smem:$0x3F7C] =	sst s3  }
0xc: {  	[smem:$0x3F7D] =	sst s4  }
0xd: {  	[smem:$0x3F7E] =	sst s5  }
0xe: {  	[smem:$0x3F7F] =	sst s6  }
0xf: {  	[smem:$0x3F80] =	sst s7  }
0x10: {  	[smem:$0x3F81] =	sst s8  }
0x11: {  	[smem:$0x3F82] =	sst s9;
	s0 =	simm.s32 @!p0 $0x0  }
0x12: {  	s1 =	sld [smem:$0x3F68];
	s0 =	simm.s32 @p0 $0x1  }
0x13: {  	[smem:$0x3F83] =	sst s0;
	s0 =	simm.s32 @!p1 $0x0  }
0x14: {  	s2 =	sld [smem:$0x3F67];
	s0 =	simm.s32 @p1 $0x1  }
0x15: {  	[smem:$0x3F84] =	sst s0;
	s0 =	simm.s32 @!p2 $0x0  }
0x16: {  	s3 =	sld [smem:$0x3FDB];
	s0 =	simm.s32 @p2 $0x1  }
0x17: {  	s4 =	simm.s32 $0x1BF5;
	[smem:$0x3F86] =	sst s0  }
0x18: {  	s0 =	sld [smem:$0x3F69];
	_ =	swait.ge [sflag:s4], $0x0  }
0x19: {  	s7 =	sld [smem:$0x3F6A]  }
0x1a: {  	s8 =	sadd.s32 $0xFFFFE003, lr  }
0x1b: {  	s9 =	sadd.s32 $0xFFFFFEF7, lr;
	s5 =	simm.s32 $0xFFFFFFFF;
	p2 =	slt.u32 s8, $0xFFFFF086  }
0x1c: {  	p1 =	slt.u32 s9, $0xF7A;
	s5 =	simm.s32 @!p2 $0x0  }
0x1d: {  	s5 =	simm.s32 @p1 $0x1;
	p0 =	seq.s32 s7, s2  }
0x1e: {  	s7 =	smul.u32 @!p0 $0xF7A, s2;
	p2 =	seq.s32 @!p0 s5, $0x0  }
0x1f: {  	s9 =	smul.u32 $0xF7A, s1;
	s8 =	simm.s32 @!p0 $0x1BF5;
	p2 =	por !p2, p0  }
0x20: {  	[sflag:s8] =	ssyncset.s32 @!p0 $0xFFFFF086;
	s6 =	sadd.s32 @!p0 s3, s7;
	s7 =	simm.s32 @!p0 $0x108  }
0x21: {  	s3 =	sadd.s32 s3, s9;
	s6 =	sadd.s32 @!p0 $0x88, s6;
	s7 =	simm.s32 @p2 $0x1082  }
0x22: {  	[simem:s7], [sflag:s8] =	dma.local @!p0 [hbm:s6], $0xF7A  }
0x23: {  	s9 =	sor.u32 $0xD0000000, s2;
	s6 =	simm.s32 $0x108;
	_ =	swait.ge @!p0 [sflag:s8], $0x0  }
0x24: {  	s3 =	sadd.s32 $0x88, s3;
	s6 =	simm.s32 @!p1 $0x1082;
	[sflag:s4] =	ssyncset.s32 $0xFFFFF086  }
0x25: {  	[simem:s6], [sflag:s4] =	dma.local [hbm:s3], $0xF7A  }
0x26: {  	[smem:$0x3F6A] =	sst s1;
	(tag) =	ssettag s2;
	_ =	strace s9  }
0x27: {  	s1 =	sld [smem:$0x3F7A]  }
0x28: {  	s2 =	sld [smem:$0x3F7B]  }
0x29: {  	s4 =	sld [smem:$0x3F7D]  }
0x2a: {  	p0 =	seq.s32 s5, $0x0;
	s5 =	sld [smem:$0x3F7E]  }
0x2b: {  	s6 =	sld [smem:$0x3F7F]  }
0x2c: {  	s7 =	sld [smem:$0x3F80]  }
0x2d: {  	s3 =	simm.s32 $0x108;
	s8 =	sld [smem:$0x3F81]  }
0x2e: {  	s3 =	simm.s32 @!p0 $0x1082;
	s9 =	sld [smem:$0x3F82]  }
0x2f: {  	lr =	sadd.s32 s0, s3;
	s0 =	sld [smem:$0x3F79]  }
0x30: {  	s3 =	sld [smem:$0x3F7C]  }
0x31: {  	[smem:$0x3F85] =	sst s10  }
0x32: {  	s10 =	sld [smem:$0x3F83];
	_ =	sdelay $0x3  }
0x33: {  	p0 =	seq.s32 s10, $0x1;
	s10 =	sld [smem:$0x3F85];
	_ =	sdelay $0x3  }
0x34: {  	[smem:$0x3F85] =	sst s10  }
0x35: {  	s10 =	sld [smem:$0x3F84];
	_ =	sdelay $0x3  }
0x36: {  	p1 =	seq.s32 s10, $0x1;
	s10 =	sld [smem:$0x3F85];
	_ =	sdelay $0x3  }
0x37: {  	[smem:$0x3F85] =	sst s10  }
0x38: {  	s10 =	sld [smem:$0x3F86]  }
0x39: {  	_ = 	snop;
	(pc) =	sbr.ind lr, $3  }
0x3a: {  	_ = 	snop  }
0x3b: {  	_ = 	snop  }
0x3c: {  	p2 =	seq.s32 s10, $0x1;
	s10 =	sld [smem:$0x3F85]  }
0x3d: {  	_ =	shalt  }
0x3e: {  	_ =	shalt  }
0x3f: {  	_ =	shalt  }
0x40: {  	_ =	shalt  }
0x41: {  	_ =	shalt  }
0x42: {  	_ =	shalt  }
0x43: {  	_ =	shalt  }
0x44: {  	_ =	shalt  }
0x45: {  	_ =	shalt  }
0x46: {  	_ =	shalt  }
0x47: {  	_ =	shalt  }
0x48: {  	_ =	shalt  }
0x49: {  	_ =	shalt  }
0x4a: {  	_ =	shalt  }
0x4b: {  	_ =	shalt  }
0x4c: {  	_ =	shalt  }
0x4d: {  	_ =	shalt  }
0x4e: {  	_ =	shalt  }
0x4f: {  	_ =	shalt  }
0x50: {  	_ =	shalt  }
0x51: {  	_ =	shalt  }
0x52: {  	_ =	shalt  }
0x53: {  	_ =	shalt  }
0x54: {  	_ =	shalt  }
0x55: {  	_ =	shalt  }
0x56: {  	_ =	shalt  }
0x57: {  	_ =	shalt  }
0x58: {  	_ =	shalt  }
0x59: {  	_ =	shalt  }
0x5a: {  	_ =	shalt  }
0x5b: {  	_ =	shalt  }
0x5c: {  	_ =	shalt  }
0x5d: {  	_ =	shalt  }
0x5e: {  	_ =	shalt  }
0x5f: {  	_ =	shalt  }
0x60: {  	_ =	shalt  }
0x61: {  	_ =	shalt  }
0x62: {  	_ =	shalt  }
0x63: {  	_ =	shalt  }
0x64: {  	_ =	shalt  }
0x65: {  	_ =	shalt  }
0x66: {  	_ =	shalt  }
0x67: {  	_ =	shalt  }
0x68: {  	_ =	shalt  }
0x69: {  	_ =	shalt  }
0x6a: {  	_ =	shalt  }
0x6b: {  	_ =	shalt  }
0x6c: {  	_ =	shalt  }
0x6d: {  	_ =	shalt  }
0x6e: {  	_ =	shalt  }
0x6f: {  	_ =	shalt  }
0x70: {  	_ =	shalt  }
0x71: {  	_ =	shalt  }
0x72: {  	_ =	shalt  }
0x73: {  	_ =	shalt  }
0x74: {  	_ =	shalt  }
0x75: {  	_ =	shalt  }
0x76: {  	_ =	shalt  }
0x77: {  	_ =	shalt  }
0x78: {  	_ =	shalt  }
0x79: {  	_ =	shalt  }
0x7a: {  	_ =	shalt  }
0x7b: {  	_ =	shalt  }
0x7c: {  	_ =	shalt  }
0x7d: {  	_ =	shalt  }
0x7e: {  	_ =	shalt  }
0x7f: {  	_ =	shalt  }
0x80: {  	_ =	shalt  }
0x81: {  	_ =	shalt  }
0x82: {  	_ =	shalt  }
0x83: {  	_ =	shalt  }
0x84: {  	_ =	shalt  }
0x85: {  	_ =	shalt  }
0x86: {  	_ =	shalt  }
0x87: {  	_ =	shalt  }
.Lfunc_end0:
.L_simem_size_0:
called_computation.2_lowered:
.L_overlay_start_0:
0x88: {  	s2 =	sld [smem:$0x3FD9]  }
0x89: {  	s3 =	sld [smem:$0x3FFE];
	_ =	sdelay $0x1  }
0x8a: {  	s1 =	srdreg.scid  }
0x8b: {  	s0 =	sand.u32 $0x1, s1  }
0x8c: {  	s17 =	sshll.u32 s0, $0xA;
	s2 =	sadd.s32 s3, s2  }
0x8d: {  	s2 =	sadd.s32 s2, s17  }
0x8e: {  	[smem:$0x3F91] =	sst s2  }
0x8f: {  	_ = 	snop  }
0x90: {  	s2 =	sld [smem:$0x3FD0];
	(tm) =	ssettm $0x1  }
0x91: {  	s18 =	sld [smem:$0x3FFB];
	_ =	sdelay $0x3  }
0x92: {  	_ =	strace s18  }
0x93: {  	s3 =	sld [smem:$0x3FFC];
	_ =	sdelay $0x3  }
0x94: {  	_ =	strace s3  }
0x95: {  	s3 =	sld [smem:$0x3FFD];
	_ =	sdelay $0x3  }
0x96: {  	_ =	strace s3  }
0x97: {  	_ =	strace $0x8FFFFFFF  }
0x98: {  	s19 =	sld [smem:$0x3FDB];
	_ =	sdelay $0x1  }
0x99: {  	s4 =	simm.s32 $_scs_section_size  }
0x9a: {  	s5 =	simm.s32 $_size__tile_overlayer_lowered;
	s6 =	simm.s32 $_tile_overlayer_lowered  }
0x9b: {  	s22 =	simm.s32 $0x1BFF;
	s21 =	sshll.u32 s6, $0x1;
	s3 =	sadd.s32 s4, s19  }
0x9c: {  	s7 =	simm.s32 $0x0;
	s20 =	sshll.u32 s5, $0x1;
	s5 =	sadd.s32 s21, s3  }
0x9d: {  	[timem:s7], [sflag:s22] =	dma.local [hbm:s5], s20  }
0x9e: {  	_ =	swait.ge [sflag:s22], s20  }
0x9f: {  	s4 =	ssub.s32 $0x0, s20;
	[sflag:s22] =	ssyncset.done $0x0  }
0xa0: {  	[sflag:s22] =	ssyncadd.s32 s4;
	_ =	sdelay $0x1  }
0xa1: {  	s23 =	simm.s32 $0x1B8B  }
0xa2: {  	_ =	swait.ge [sflag:s23], $0x1  }
0xa3: {  	[sflag:s23] =	ssyncset.done $0x0  }
0xa4: {  	s25 =	simm.s32 $0x1B8E;
	s24 =	sld [smem:$0x3FFE];
	[sflag:s23] =	ssyncadd.s32 $0xFFFFFFFF  }
0xa5: {  	s26 =	simm.s32 $execute0_lowered;
	[smem:$0x3FD2] =	sst s25  }
0xa6: {  	s5 =	sshll.u32 s26, $0x1;
	_ =	strace $0x8000004C;
	[dreg:$0x1] =	wrdreg $0xFFFFFFFF  }
0xa7: {  	s28 =	simm.s32 $_size_execute0_lowered;
	s3 =	sadd.s32 s3, s5;
	[dreg:$0x0] =	wrdreg $0x0  }
0xa8: {  	s5 =	sshll.u32 s28, $0x1;
	[dreg:$0x2] =	wrdreg s3  }
0xa9: {  	[dreg:$0x3] =	wrdreg s5  }
0xaa: {  	[dreg:$0x4] =	wrdreg $0xC0  }
0xab: {  	_ =	task [dreg:s7], $0x5FFFF  }
0xac: {  	[dreg:$0x1] =	wrdreg $0xFFFFFFFF  }
0xad: {  	[dreg:$0x0] =	wrdreg $0x60  }
0xae: {  	[dreg:$0x2] =	wrdreg s24  }
0xaf: {  	[dreg:$0x3] =	wrdreg s2  }
0xb0: {  	[dreg:$0x4] =	wrdreg $0x9  }
0xb1: {  	_ =	task.clear_ibuf [dreg:s7], $0x5FFFF;
	_ =	strace $0x9000004C  }
0xb2: {  	s29 =	simm.s32 $0x9;
	_ =	strace $0x8000004E  }
0xb3: {  	_ =	swait.ge [sflag:s29], $0x1  }
0xb4: {  	[sflag:s29] =	ssyncadd.s32 $0xFFFFFFFF  }
0xb5: {  	_ =	strace $0x9000004E  }
0xb6: {  	_ =	sfence  }
0xb7: {  	s30 =	sld [smem:$0x0];
	_ =	sdelay $0x2  }
0xb8: {  	s31 =	sshll.u32 s1, $0xD;
	s1 =	sshrl.u32 s1, $0x2  }
0xb9: {  	s3 =	sand.u32 $0x4000, s31;
	s1 =	sadd.s32 s1, s30  }
0xba: {  	s0 =	sor.u32 s3, s0;
	s1 =	sshll.u32 s1, $0x11  }
0xbb: {  	s0 =	sor.u32 s1, s0  }
0xbc: {  	s0 =	sadd.s32 $0x8F2B, s0  }
0xbd: {  	[sflag:s0] =	ssyncadd.remote.s32 $0x1  }
0xbe: {  	_ =	sfence.sel $0xFFFF  }
0xbf: {  	[dreg:$0x0] =	wrdreg $0xFFFFFFFF;
	(pc) =	sbr.abs _section_cstart, $3  }
0xc0: {  	[dreg:$0x1] =	wrdreg $0xFFFFFFFF  }
0xc1: {  	_ =	task.clear_ibuf [dreg:s7], $0x2FFFF;
	_ =	strace $0x9FFFFFFF  }
0xc2: {  	(tm) =	ssettm $0x7FFFFFFF  }
0xc3: {  	_ =	shalt  }
tec
execute0_lowered:
.L_overlay_start_1:
0x0: {  	(tag) =	ssettag $0x1  }
0x1: {  	s5 =	rddreg [dreg:$0x0];
	s0 =	srdreg.scid  }
0x2: {  	s2 =	rddreg [dreg:$0x1];
	s1 =	stileid.u32;
	s6 =	simm.s32 $0x1  }
0x3: {  	s9 =	simm.s32 $0x1;
	s10 =	simm.s32 $0x3;
	s3 =	sshll.u32 s0, $0xB  }
0x4: {  	s13 =	simm.s32 $0x0;
	s4 =	sshll.u32 s1, $0xC;
	s3 =	sand.u32 $0x800, s3  }
0x5: {  	s0 =	rddreg [dreg:$0x2];
	_ =	strace $0x8000004D;
	s3 =	sor.u32 s4, s3  }
0x6: {  	s12 =	simm.s32 $0x0;
	[sflag:s6] =	ssyncpa.u1 $0x0;
	s8 =	ssub.s32 $0x18000, s3  }
.Ltmp0:
0x7: {  	s4 =	sadd.s32 $0x4F4600, s5;
	s7 =	sand.u32 $0xF800, s8;
	(pc) =	sbr.rel .LBB2_1-.Ltmp0, $4  }
0x8: {  	s5 =	sadd.s32 $0x83600, s5;
	s11 =	smov.u32 s3;
	p0 =	sne.s32 s7, $0x0  }
0x9: {  	s8 =	sshrl.u32 s8, $0x10;
	s7 =	simm.s32 $0x2;
	s9 =	simm.s32 @!p0 $0x0  }
0xa: {  	[sflag:s7] =	ssyncpa.u1 $0x0;
	p0 =	por $0x0, $0x0;
	s8 =	sadd.s32 s9, s8  }
0xb: {  	vm0 =	vmmov $0xffff;
	[sflag:s10] =	ssyncpa.u1 $0x0;
	s10 =	simm.s32 $0x0;
	s9 =	sadd.s32 $0x1, s8  }
.LBB2_4:
0xc: {  	v3 =	vshrl.u32 v0, $0x3;
	v4 =	vshrl.u32 v0, $0xF;
	v1 =	vor.u32 v1, v2  }
0xd: {  	v62 =	vshll.u32 v0, $0x15;
	v60 =	vand.u32 $0xFFF, v3;
	v61 =	vand.u32 $0x1FF, v4  }
0xe: {  	v0 =	vand.u32 $0xE00000, v62;
	v2 =	vsel vm1, $0xFFFFFFFF, v60;
	v3 =	vsel vm1, $0xFFFFFFFF, v61  }
0xf: {  	v0 =	vsel vm1, $0xFFE00000, v0;
	v63 =	vand.u32 $0x7F, v2;
	v5 =	vshll.u32 v3, $0xC  }
0x10: {  	v2 =	vshll.u32 v2, $0x3;
	v5 =	vand.u32 $0xFFFF8000, v5;
	v0 =	vor.u32 v0, v63  }
0x11: {  	v3 =	vshll.u32 v3, $0x7;
	v2 =	vand.u32 $0xFFFFFC00, v2;
	v0 =	vadd.s32 v5, v0  }
0x12: {  	v3 =	vand.u32 $0x380, v3;
	v0 =	vadd.s32 v2, v0  }
0x13: {  	v0 =	vor.u32 v3, v0;
	_ =	sdelay $0x1  }
0x14: {  	(ifvalue) =	ssetifvalue $0x7FFFFFFF;
	s14 =	sadd.s32 $0x10, s14  }
0x15: {  	[tilespmem:s14], [sflag:$0x1] =	stream.indirect_vreg.gather [hbm4b:s4+s10], $0x1, v1, vm0, $0x4038;
	[tilespmem:$0x2000] =	vst v63  }
0x16: {  	(ifvalue) =	ssetifvalue $0x7FFFFFFF;
	s14 =	sadd.s32 $0x10, s14  }
0x17: {  	[tilespmem:s14], [sflag:$0x1] =	stream.indirect_vreg.gather [hbm4b:s4+s10], $0x1, v0, vm0, $0x4038;
	[tilespmem:$0x2000] =	vst v63  }
0x18: {  	_ =	swait.ge [sflag:s6], $0x800  }
0x19: {  	s30 =	sshrl.u32 s13, $0x3;
	[sflag:s6] =	ssyncset.done $0x0  }
0x1a: {  	s31 =	sand.u32 $0x7, s13;
	s14 =	sadd.s32 s2, s30;
	[sflag:s6] =	ssyncadd.s32 $0xFFFFF800  }
0x1b: {  	[hbm4b:s14+s31] =	stream.linear.scatter [tilespmem:s15], [sflag:$0x3], $0x800, $0x38;
	[tilespmem:$0x2000] =	vst v63  }
.LBB2_5:
0x1c: {  	s15 =	sadd.s32 $0x10000, s11  }
0x1d: {  	p2 =	sgt.s32 s15, $0x17FFF  }
0x1e: {  	s15 =	smov.u32 @p2 s3;
	p2 =	sne.s32 s12, s9  }
.Ltmp1:
0x1f: {  	p1 =	slt.u32 s12, $0x2;
	(pc) =	sbr.rel @!p2 .LBB2_6-.Ltmp1, $4  }
0x20: {  	s14 =	simm.s32 @!p1 $0x3  }
0x21: {  	s16 =	sadd.s32 $0x1, s12;
	_ =	swait.ge @!p1 [sflag:s14], $0x800  }
0x22: {  	s13 =	smov.u32 s11;
	p0 =	por !p0, !p0;
	[sflag:s14] =	ssyncset.done @!p1 $0x0  }
0x23: {  	s12 =	smov.u32 s16;
	s11 =	smov.u32 s15;
	[sflag:s14] =	ssyncadd.s32 @!p1 $0xFFFFF800  }
.LBB2_1:
0x24: {  	p1 =	sge.u32 s12, s8  }
0x25: {  	s14 =	sxor.u32 @!p1 $0xFFFFFFFF, s12  }
0x26: {  	s31 =	sadd.s32 $0xFFFFFFFF, s12;
	s15 =	sshrl.u32 @!p1 s11, $0x3;
	s14 =	sshll.u32 @!p1 s14, $0xB  }
0x27: {  	s16 =	sand.u32 @!p1 $0x7, s11;
	s15 =	sadd.s32 @!p1 s5, s15;
	s14 =	sand.u32 @!p1 $0x800, s14  }
0x28: {  	[tilespmem:s14], [sflag:$0x2] =	stream.linear.gather @!p1 [hbm4b:s15+s16], $0x800, $0x38;
	[tilespmem:$0x2000] =	vst v63  }
0x29: {  	p1 =	sge.u32 s31, s8  }
.Ltmp2:
0x2a: {  	_ = 	snop;
	(pc) =	sbr.rel @p1 .LBB2_5-.Ltmp2, $1  }
0x2b: {  	_ =	sdelay $0x3  }
0x2c: {  	s14 =	simm.s32 $0x1  }
0x2d: {  	_ =	swait.ge [sflag:s7], $0x800;
	s14 =	simm.s32 @!p0 $0x0  }
0x2e: {  	[sflag:s7] =	ssyncset.done $0x0;
	s14 =	sshll.u32 s14, $0xB  }
0x2f: {  	[sflag:s7] =	ssyncadd.s32 $0xFFFFF800;
	(ifvalue) =	ssetifvalue $0x7FFFFFFF;
	v0 =	vld.msk [tilespmem:s14+$0x0 ss:$0x1], $0xffff;
	_ =	sdelay $0x4  }
0x30: {  	s15 =	sadd.s32 $0x10, s14;
	vm1 =	veq.s32 v0, $0x80000000;
	v1 =	vshrl.u32 v0, $0x3;
	v2 =	vshrl.u32 v0, $0xF  }
0x31: {  	v3 =	vld.msk [tilespmem:s15+$0x0 ss:$0x1], $0xffff;
	v0 =	vshll.u32 v0, $0x15;
	v1 =	vand.u32 $0xFFF, v1;
	v2 =	vand.u32 $0x1FF, v2  }
0x32: {  	v0 =	vand.u32 $0xE00000, v0;
	v1 =	vsel vm1, $0xFFFFFFFF, v1;
	v2 =	vsel vm1, $0xFFFFFFFF, v2  }
0x33: {  	v0 =	vsel vm1, $0xFFE00000, v0;
	v4 =	vand.u32 $0x7F, v1;
	v5 =	vshll.u32 v2, $0xC  }
0x34: {  	v1 =	vshll.u32 v1, $0x3;
	v5 =	vand.u32 $0xFFFF8000, v5;
	v0 =	vor.u32 v0, v4  }
0x35: {  	v2 =	vshll.u32 v2, $0x7;
	v1 =	vand.u32 $0xFFFFFC00, v1;
	v0 =	vadd.s32 v5, v0  }
0x36: {  	v62 =	vshrl.u32 v3, $0xF;
	v2 =	vand.u32 $0x380, v2;
	v0 =	vadd.s32 v1, v0  }
0x37: {  	s17 =	sadd.s32 $0x10, s15;
	vm1 =	veq.s32 v3, $0x80000000;
	v1 =	vor.u32 v2, v0;
	v2 =	vshrl.u32 v3, $0x3  }
0x38: {  	v4 =	vand.u32 $0x1FF, v62;
	v0 =	vld.msk [tilespmem:s17+$0x0 ss:$0x1], $0xffff;
	v3 =	vshll.u32 v3, $0x15;
	v2 =	vand.u32 $0xFFF, v2  }
0x39: {  	v4 =	vsel vm1, $0xFFFFFFFF, v4;
	v3 =	vand.u32 $0xE00000, v3;
	v2 =	vsel vm1, $0xFFFFFFFF, v2  }
0x3a: {  	s31 =	sshll.u32 s12, $0xB;
	v6 =	vshll.u32 v4, $0xC;
	v3 =	vsel vm1, $0xFFE00000, v3;
	v63 =	vand.u32 $0x7F, v2  }
0x3b: {  	s14 =	sor.u32 $0x1000, s14;
	s15 =	sand.u32 $0x800, s31;
	(ifvalue) =	ssetifvalue $0x7FFFFFFF;
	v6 =	vand.u32 $0xFFFF8000, v6;
	v2 =	vshll.u32 v2, $0x3;
	v3 =	vor.u32 v3, v63  }
0x3c: {  	v2 =	vand.u32 $0xFFFFFC00, v2;
	[tilespmem:s14], [sflag:$0x1] =	stream.indirect_vreg.gather [hbm4b:s4+s10], $0x1, v1, vm0, $0x4038;
	v1 =	vshll.u32 v4, $0x7;
	v3 =	vadd.s32 v6, v3;
	[tilespmem:$0x2000] =	vst v63  }
0x3d: {  	s16 =	simm.s32 $0x20;
	s15 =	sor.u32 $0x1000, s15;
	s17 =	sadd.s32 $0x10, s17;
	vm1 =	veq.s32 v0, $0x80000000;
	v1 =	vand.u32 $0x380, v1;
	v2 =	vadd.s32 v2, v3  }
.LBB2_3:
0x3e: {  	v3 =	vld.msk [tilespmem:s17+$0x0 ss:$0x1], $0xffff;
	v4 =	vshrl.u32 v0, $0x3;
	v5 =	vshrl.u32 v0, $0xF;
	v1 =	vor.u32 v1, v2;
	s16 =	sadd.s32 $0x10, s16  }
0x3f: {  	v0 =	vshll.u32 v0, $0x15;
	v2 =	vand.u32 $0xFFF, v4;
	v4 =	vand.u32 $0x1FF, v5;
	p1 =	slt.u32 s16, $0x7F0  }
.Ltmp3:
0x40: {  	v0 =	vand.u32 $0xE00000, v0;
	v2 =	vsel vm1, $0xFFFFFFFF, v2;
	v4 =	vsel vm1, $0xFFFFFFFF, v4;
	(pc) =	sbr.rel @p1 .LBB2_3-.Ltmp3, $4  }
0x41: {  	v0 =	vsel vm1, $0xFFE00000, v0;
	v5 =	vand.u32 $0x7F, v2;
	v6 =	vshll.u32 v4, $0xC  }
0x42: {  	s14 =	sadd.s32 $0x10, s14;
	v2 =	vshll.u32 v2, $0x3;
	v6 =	vand.u32 $0xFFFF8000, v6;
	v7 =	vor.u32 v0, v5;
	(ifvalue) =	ssetifvalue $0x7FFFFFFF  }
0x43: {  	v4 =	vshll.u32 v4, $0x7;
	v2 =	vand.u32 $0xFFFFFC00, v2;
	v5 =	vadd.s32 v6, v7;
	[tilespmem:s14], [sflag:$0x1] =	stream.indirect_vreg.gather [hbm4b:s4+s10], $0x1, v1, vm0, $0x4038;
	[tilespmem:$0x2000] =	vst v63  }
0x44: {  	s17 =	sadd.s32 $0x10, s17;
	vm1 =	veq.s32 v3, $0x80000000;
	v1 =	vand.u32 $0x380, v4;
	v0 =	vmovc v3;
	v2 =	vadd.s32 v2, v5  }
.Ltmp4:
0x45: {  	_ = 	snop;
	(pc) =	sbr.rel .LBB2_4-.Ltmp4, $1  }
0x46: {  	_ =	sdelay $0x3  }
.LBB2_6:
0x47: {  	_ =	sfence.sel $0x180000  }
0x48: {  	s2 =	simm.s32 $0x2;
	[bflag:$0x0] =	sbarrier.arrive $0xFFFF  }
0x49: {  	s30 =	simm.s32 $0x3;
	[sflag:s2] =	ssyncpa.u1 $0x1  }
0x4a: {  	s31 =	simm.s32 $0x1;
	[sflag:s30] =	ssyncpa.u1 $0x1  }
0x4b: {  	[sflag:s31] =	ssyncpa.u1 $0x1  }
0x4c: {  	p0 =	sne.s32 s1, $0x0;
	_ =	strace $0x9000004D  }
0x4d: {  	s0 =	sadd.s32 @!p0 $0x100000, s0;
	[bflag:$0x2] =	sbarrier.arrive $0xFFFF  }
0x4e: {  	[sflag:s0] =	ssyncadd.tile.s32 @!p0 $0x1;
	_ =	shalt  }
.Lfunc_end2:
_tile_overlayer_lowered:
.L_overlay_start_2:
0x4f: {  	(tag) =	ssettag $0x2  }
0x50: {  	s0 =	rddreg [dreg:$0x0];
	s2 =	stileid.u32  }
0x51: {  	s1 =	rddreg [dreg:$0x1];
	p0 =	sne.s32 s2, $0x0  }
0x52: {  	s3 =	rddreg [dreg:$0x2];
	[bflag:$0x3] =	sbarrier.arrive $0xFFFF;
	s2 =	simm.s32 @!p0 $0x1C01  }
0x53: {  	[timem:s3], [sflag:s2] =	dma.local @!p0 [hbm:s0], s1  }
0x54: {  	s0 =	simm.s32 @!p0 $0x1  }
0x55: {  	_ =	swait.ge @!p0 [sflag:s0], s1  }
0x56: {  	s1 =	ssub.s32 @!p0 $0x0, s1;
	[sflag:s0] =	ssyncset.done @!p0 $0x0  }
0x57: {  	[sflag:s0] =	ssyncadd.s32 @!p0 s1  }
0x58: {  	[bflag:$0x3] =	sbarrier.arrive $0xFFFF  }
0x59: {  	_ =	shalt  }

// kernel: gather_offload_async_start
scs
__scs_entry_jumppad:
0x0: {  	(pc) =	sbr.rel $0x88, $3  }
0x1: {  	(tag) =	ssettag $0x0;
	lr =	simm.s32 $0x1  }
0x2: {  	[smem:$0x3F6A] =	sst lr;
	_ =	strace $0xD0000000  }
0x3: {  	_ = 	snop  }
0x4: {  	_ = 	snop  }
0x5: {  	_ = 	snop  }
0x6: {  	_ = 	snop  }
0x7: {  	_ = 	snop  }
__scs_overlays_trampoline_lowered:
0x8: {  	[smem:$0x3F79] =	sst s0  }
0x9: {  	[smem:$0x3F7A] =	sst s1  }
0xa: {  	[smem:$0x3F7B] =	sst s2  }
0xb: {  	[smem:$0x3F7C] =	sst s3  }
0xc: {  	[smem:$0x3F7D] =	sst s4  }
0xd: {  	[smem:$0x3F7E] =	sst s5  }
0xe: {  	[smem:$0x3F7F] =	sst s6  }
0xf: {  	[smem:$0x3F80] =	sst s7  }
0x10: {  	[smem:$0x3F81] =	sst s8  }
0x11: {  	[smem:$0x3F82] =	sst s9;
	s0 =	simm.s32 @!p0 $0x0  }
0x12: {  	s1 =	sld [smem:$0x3F68];
	s0 =	simm.s32 @p0 $0x1  }
0x13: {  	[smem:$0x3F83] =	sst s0;
	s0 =	simm.s32 @!p1 $0x0  }
0x14: {  	s2 =	sld [smem:$0x3F67];
	s0 =	simm.s32 @p1 $0x1  }
0x15: {  	[smem:$0x3F84] =	sst s0;
	s0 =	simm.s32 @!p2 $0x0  }
0x16: {  	s3 =	sld [smem:$0x3FDB];
	s0 =	simm.s32 @p2 $0x1  }
0x17: {  	s4 =	simm.s32 $0x1BF5;
	[smem:$0x3F86] =	sst s0  }
0x18: {  	s0 =	sld [smem:$0x3F69];
	_ =	swait.ge [sflag:s4], $0x0  }
0x19: {  	s7 =	sld [smem:$0x3F6A]  }
0x1a: {  	s8 =	sadd.s32 $0xFFFFE003, lr  }
0x1b: {  	s9 =	sadd.s32 $0xFFFFFEF7, lr;
	s5 =	simm.s32 $0xFFFFFFFF;
	p2 =	slt.u32 s8, $0xFFFFF086  }
0x1c: {  	p1 =	slt.u32 s9, $0xF7A;
	s5 =	simm.s32 @!p2 $0x0  }
0x1d: {  	s5 =	simm.s32 @p1 $0x1;
	p0 =	seq.s32 s7, s2  }
0x1e: {  	s7 =	smul.u32 @!p0 $0xF7A, s2;
	p2 =	seq.s32 @!p0 s5, $0x0  }
0x1f: {  	s9 =	smul.u32 $0xF7A, s1;
	s8 =	simm.s32 @!p0 $0x1BF5;
	p2 =	por !p2, p0  }
0x20: {  	[sflag:s8] =	ssyncset.s32 @!p0 $0xFFFFF086;
	s6 =	sadd.s32 @!p0 s3, s7;
	s7 =	simm.s32 @!p0 $0x108  }
0x21: {  	s3 =	sadd.s32 s3, s9;
	s6 =	sadd.s32 @!p0 $0x88, s6;
	s7 =	simm.s32 @p2 $0x1082  }
0x22: {  	[simem:s7], [sflag:s8] =	dma.local @!p0 [hbm:s6], $0xF7A  }
0x23: {  	s9 =	sor.u32 $0xD0000000, s2;
	s6 =	simm.s32 $0x108;
	_ =	swait.ge @!p0 [sflag:s8], $0x0  }
0x24: {  	s3 =	sadd.s32 $0x88, s3;
	s6 =	simm.s32 @!p1 $0x1082;
	[sflag:s4] =	ssyncset.s32 $0xFFFFF086  }
0x25: {  	[simem:s6], [sflag:s4] =	dma.local [hbm:s3], $0xF7A  }
0x26: {  	[smem:$0x3F6A] =	sst s1;
	(tag) =	ssettag s2;
	_ =	strace s9  }
0x27: {  	s1 =	sld [smem:$0x3F7A]  }
0x28: {  	s2 =	sld [smem:$0x3F7B]  }
0x29: {  	s4 =	sld [smem:$0x3F7D]  }
0x2a: {  	p0 =	seq.s32 s5, $0x0;
	s5 =	sld [smem:$0x3F7E]  }
0x2b: {  	s6 =	sld [smem:$0x3F7F]  }
0x2c: {  	s7 =	sld [smem:$0x3F80]  }
0x2d: {  	s3 =	simm.s32 $0x108;
	s8 =	sld [smem:$0x3F81]  }
0x2e: {  	s3 =	simm.s32 @!p0 $0x1082;
	s9 =	sld [smem:$0x3F82]  }
0x2f: {  	lr =	sadd.s32 s0, s3;
	s0 =	sld [smem:$0x3F79]  }
0x30: {  	s3 =	sld [smem:$0x3F7C]  }
0x31: {  	[smem:$0x3F85] =	sst s10  }
0x32: {  	s10 =	sld [smem:$0x3F83];
	_ =	sdelay $0x3  }
0x33: {  	p0 =	seq.s32 s10, $0x1;
	s10 =	sld [smem:$0x3F85];
	_ =	sdelay $0x3  }
0x34: {  	[smem:$0x3F85] =	sst s10  }
0x35: {  	s10 =	sld [smem:$0x3F84];
	_ =	sdelay $0x3  }
0x36: {  	p1 =	seq.s32 s10, $0x1;
	s10 =	sld [smem:$0x3F85];
	_ =	sdelay $0x3  }
0x37: {  	[smem:$0x3F85] =	sst s10  }
0x38: {  	s10 =	sld [smem:$0x3F86]  }
0x39: {  	_ = 	snop;
	(pc) =	sbr.ind lr, $3  }
0x3a: {  	_ = 	snop  }
0x3b: {  	_ = 	snop  }
0x3c: {  	p2 =	seq.s32 s10, $0x1;
	s10 =	sld [smem:$0x3F85]  }
0x3d: {  	_ =	shalt  }
0x3e: {  	_ =	shalt  }
0x3f: {  	_ =	shalt  }
0x40: {  	_ =	shalt  }
0x41: {  	_ =	shalt  }
0x42: {  	_ =	shalt  }
0x43: {  	_ =	shalt  }
0x44: {  	_ =	shalt  }
0x45: {  	_ =	shalt  }
0x46: {  	_ =	shalt  }
0x47: {  	_ =	shalt  }
0x48: {  	_ =	shalt  }
0x49: {  	_ =	shalt  }
0x4a: {  	_ =	shalt  }
0x4b: {  	_ =	shalt  }
0x4c: {  	_ =	shalt  }
0x4d: {  	_ =	shalt  }
0x4e: {  	_ =	shalt  }
0x4f: {  	_ =	shalt  }
0x50: {  	_ =	shalt  }
0x51: {  	_ =	shalt  }
0x52: {  	_ =	shalt  }
0x53: {  	_ =	shalt  }
0x54: {  	_ =	shalt  }
0x55: {  	_ =	shalt  }
0x56: {  	_ =	shalt  }
0x57: {  	_ =	shalt  }
0x58: {  	_ =	shalt  }
0x59: {  	_ =	shalt  }
0x5a: {  	_ =	shalt  }
0x5b: {  	_ =	shalt  }
0x5c: {  	_ =	shalt  }
0x5d: {  	_ =	shalt  }
0x5e: {  	_ =	shalt  }
0x5f: {  	_ =	shalt  }
0x60: {  	_ =	shalt  }
0x61: {  	_ =	shalt  }
0x62: {  	_ =	shalt  }
0x63: {  	_ =	shalt  }
0x64: {  	_ =	shalt  }
0x65: {  	_ =	shalt  }
0x66: {  	_ =	shalt  }
0x67: {  	_ =	shalt  }
0x68: {  	_ =	shalt  }
0x69: {  	_ =	shalt  }
0x6a: {  	_ =	shalt  }
0x6b: {  	_ =	shalt  }
0x6c: {  	_ =	shalt  }
0x6d: {  	_ =	shalt  }
0x6e: {  	_ =	shalt  }
0x6f: {  	_ =	shalt  }
0x70: {  	_ =	shalt  }
0x71: {  	_ =	shalt  }
0x72: {  	_ =	shalt  }
0x73: {  	_ =	shalt  }
0x74: {  	_ =	shalt  }
0x75: {  	_ =	shalt  }
0x76: {  	_ =	shalt  }
0x77: {  	_ =	shalt  }
0x78: {  	_ =	shalt  }
0x79: {  	_ =	shalt  }
0x7a: {  	_ =	shalt  }
0x7b: {  	_ =	shalt  }
0x7c: {  	_ =	shalt  }
0x7d: {  	_ =	shalt  }
0x7e: {  	_ =	shalt  }
0x7f: {  	_ =	shalt  }
0x80: {  	_ =	shalt  }
0x81: {  	_ =	shalt  }
0x82: {  	_ =	shalt  }
0x83: {  	_ =	shalt  }
0x84: {  	_ =	shalt  }
0x85: {  	_ =	shalt  }
0x86: {  	_ =	shalt  }
0x87: {  	_ =	shalt  }
.Lfunc_end0:
.L_simem_size_0:
called_computation_lowered:
.L_overlay_start_0:
0x88: {  	s2 =	sld [smem:$0x3FD9]  }
0x89: {  	s3 =	sld [smem:$0x3FFE];
	_ =	sdelay $0x1  }
0x8a: {  	s1 =	srdreg.scid  }
0x8b: {  	s0 =	sand.u32 $0x1, s1  }
0x8c: {  	s17 =	sshll.u32 s0, $0xA;
	s2 =	sadd.s32 s3, s2  }
0x8d: {  	s2 =	sadd.s32 s2, s17  }
0x8e: {  	[smem:$0x3F91] =	sst s2  }
0x8f: {  	_ = 	snop  }
0x90: {  	s2 =	sld [smem:$0x3FD0];
	(tm) =	ssettm $0x1  }
0x91: {  	s18 =	sld [smem:$0x3FFB];
	_ =	sdelay $0x3  }
0x92: {  	_ =	strace s18  }
0x93: {  	s3 =	sld [smem:$0x3FFC];
	_ =	sdelay $0x3  }
0x94: {  	_ =	strace s3  }
0x95: {  	s3 =	sld [smem:$0x3FFD];
	_ =	sdelay $0x3  }
0x96: {  	_ =	strace s3  }
0x97: {  	_ =	strace $0x8FFFFFFF  }
0x98: {  	s19 =	sld [smem:$0x3FDB];
	_ =	sdelay $0x1  }
0x99: {  	s4 =	simm.s32 $_scs_section_size  }
0x9a: {  	s5 =	simm.s32 $_size__tile_overlayer_lowered;
	s6 =	simm.s32 $_tile_overlayer_lowered  }
0x9b: {  	s22 =	simm.s32 $0x1BFF;
	s21 =	sshll.u32 s6, $0x1;
	s3 =	sadd.s32 s4, s19  }
0x9c: {  	s7 =	simm.s32 $0x0;
	s20 =	sshll.u32 s5, $0x1;
	s5 =	sadd.s32 s21, s3  }
0x9d: {  	[timem:s7], [sflag:s22] =	dma.local [hbm:s5], s20  }
0x9e: {  	_ =	swait.ge [sflag:s22], s20  }
0x9f: {  	s4 =	ssub.s32 $0x0, s20;
	[sflag:s22] =	ssyncset.done $0x0  }
0xa0: {  	[sflag:s22] =	ssyncadd.s32 s4;
	_ =	sdelay $0x1  }
0xa1: {  	s23 =	simm.s32 $0x1B8B  }
0xa2: {  	_ =	swait.ge [sflag:s23], $0x1  }
0xa3: {  	[sflag:s23] =	ssyncset.done $0x0  }
0xa4: {  	s25 =	simm.s32 $0x1B8E;
	s24 =	sld [smem:$0x3FFE];
	[sflag:s23] =	ssyncadd.s32 $0xFFFFFFFF  }
0xa5: {  	s26 =	simm.s32 $execute0_lowered;
	[smem:$0x3FD2] =	sst s25  }
0xa6: {  	s5 =	sshll.u32 s26, $0x1;
	_ =	strace $0x80000046;
	[dreg:$0x1] =	wrdreg $0xFFFFFFFF  }
0xa7: {  	s28 =	simm.s32 $_size_execute0_lowered;
	s3 =	sadd.s32 s3, s5;
	[dreg:$0x0] =	wrdreg $0x0  }
0xa8: {  	s5 =	sshll.u32 s28, $0x1;
	[dreg:$0x2] =	wrdreg s3  }
0xa9: {  	[dreg:$0x3] =	wrdreg s5  }
0xaa: {  	[dreg:$0x4] =	wrdreg $0xC0  }
0xab: {  	_ =	task [dreg:s7], $0x5FFFF  }
0xac: {  	[dreg:$0x1] =	wrdreg $0xFFFFFFFF  }
0xad: {  	[dreg:$0x0] =	wrdreg $0x60  }
0xae: {  	[dreg:$0x2] =	wrdreg s24  }
0xaf: {  	[dreg:$0x3] =	wrdreg s2  }
0xb0: {  	[dreg:$0x4] =	wrdreg $0x9  }
0xb1: {  	_ =	task.clear_ibuf [dreg:s7], $0x5FFFF;
	_ =	strace $0x90000046  }
0xb2: {  	s29 =	simm.s32 $0x9;
	_ =	strace $0x80000048  }
0xb3: {  	_ =	swait.ge [sflag:s29], $0x1  }
0xb4: {  	[sflag:s29] =	ssyncadd.s32 $0xFFFFFFFF  }
0xb5: {  	_ =	strace $0x90000048  }
0xb6: {  	_ =	sfence  }
0xb7: {  	s30 =	sld [smem:$0x0];
	_ =	sdelay $0x2  }
0xb8: {  	s31 =	sshll.u32 s1, $0xD;
	s1 =	sshrl.u32 s1, $0x2  }
0xb9: {  	s3 =	sand.u32 $0x4000, s31;
	s1 =	sadd.s32 s1, s30  }
0xba: {  	s0 =	sor.u32 s3, s0;
	s1 =	sshll.u32 s1, $0x11  }
0xbb: {  	s0 =	sor.u32 s1, s0  }
0xbc: {  	s0 =	sadd.s32 $0x8F2B, s0  }
0xbd: {  	[sflag:s0] =	ssyncadd.remote.s32 $0x1  }
0xbe: {  	_ =	sfence.sel $0xFFFF  }
0xbf: {  	[dreg:$0x0] =	wrdreg $0xFFFFFFFF;
	(pc) =	sbr.abs _section_cstart, $3  }
0xc0: {  	[dreg:$0x1] =	wrdreg $0xFFFFFFFF  }
0xc1: {  	_ =	task.clear_ibuf [dreg:s7], $0x2FFFF;
	_ =	strace $0x9FFFFFFF  }
0xc2: {  	(tm) =	ssettm $0x7FFFFFFF  }
0xc3: {  	_ =	shalt  }
tec
execute0_lowered:
.L_overlay_start_1:
0x0: {  	(tag) =	ssettag $0x1  }
0x1: {  	s7 =	rddreg [dreg:$0x0]  }
0x2: {  	s2 =	rddreg [dreg:$0x1]  }
0x3: {  	s0 =	rddreg [dreg:$0x2]  }
0x4: {  	s1 =	srdreg.scid;
	_ =	strace $0x80000047;
	s4 =	simm.s32 $0x1  }
0x5: {  	s9 =	simm.s32 $0x3;
	s12 =	simm.s32 $0x0;
	s5 =	sshll.u32 s1, $0x4  }
.Ltmp0:
0x6: {  	s1 =	stileid.u32;
	s5 =	sand.u32 $0x10, s5;
	(pc) =	sbr.rel .LBB2_1-.Ltmp0, $4  }
0x7: {  	s10 =	simm.s32 $0x0;
	s3 =	sadd.s32 $0x200, s7;
	s6 =	sor.u32 s1, s5  }
0x8: {  	[sflag:s4] =	ssyncpa.u1 $0x0;
	s5 =	simm.s32 $0x2;
	s6 =	sshll.u32 s6, $0x7  }
0x9: {  	s7 =	sadd.s32 $0x80200, s7;
	[sflag:s5] =	ssyncpa.u1 $0x0;
	s8 =	sadd.s32 $0x80, s6  }
0xa: {  	vm0 =	vmmov $0xff;
	vm1 =	vcmask $0x3F20;
	[sflag:s9] =	ssyncpa.u1 $0x0;
	s9 =	simm.s32 $0x80;
	s11 =	smov.u32 s6  }
.LBB2_9:
0xb: {  	p0 =	seq.s32 s10, $0x2  }
.Ltmp1:
0xc: {  	_ = 	snop;
	(pc) =	sbr.rel @p0 .LBB2_11-.Ltmp1, $1  }
0xd: {  	_ =	sdelay $0x3  }
.LBB2_10:
0xe: {  	s12 =	sadd.s32 $0x80, s11  }
0xf: {  	s13 =	smov.u32 s6;
	p0 =	slt.s32 s12, s8  }
0x10: {  	s13 =	smov.u32 @p0 s12  }
0x11: {  	s10 =	sadd.s32 $0x1, s10;
	s12 =	smov.u32 s11;
	s11 =	smov.u32 s13  }
.LBB2_1:
0x12: {  	p0 =	sne.s32 s10, $0x0  }
.Ltmp2:
0x13: {  	_ = 	snop;
	(pc) =	sbr.rel @!p0 .LBB2_2-.Ltmp2, $1  }
0x14: {  	_ =	sdelay $0x3  }
0x15: {  	s13 =	sand.u32 $0x1, s10  }
0x16: {  	p0 =	seq.s32 s13, $0x0  }
.Ltmp3:
0x17: {  	_ = 	snop;
	(pc) =	sbr.rel @p0 .LBB2_9-.Ltmp3, $1  }
0x18: {  	_ =	sdelay $0x3  }
0x19: {  	_ =	swait.ge [sflag:s5], $0x80  }
0x1a: {  	[sflag:s5] =	ssyncset.done $0x0  }
0x1b: {  	s13 =	simm.s32 $0x0;
	[sflag:s5] =	ssyncadd.s32 $0xFFFFFF80  }
0x1c: {  	v0 =	vld.msk [tilespmem:s13+$0x80 ss:$0x1], $0xffff;
	_ =	sdelay $0x4  }
0x1d: {  	v1 =	vshll.u32 v0, $0x4  }
0x1e: {  	vm2 =	veq.s32 v0, $0x80000000;
	v0 =	vshll.u32 v0, $0x13;
	v1 =	vand.u32 $0x7FF80, v1  }
0x1f: {  	v0 =	vand.u32 $0x380000, v0;
	v1 =	vsel vm2, $0xFFFFFF80, v1  }
0x20: {  	v0 =	vsel vm2, $0xFFF80000, v0;
	v2 =	vand.u32 $0xFFFFFC00, v1  }
0x21: {  	v1 =	vand.u32 $0x380, v1;
	v0 =	vadd.s32 v0, v2  }
0x22: {  	v0 =	vor.u32 v1, v0  }
0x23: {  	v0 =	vshrl.u32 v0, $0x3;
	_ =	sdelay $0x3  }
0x24: {  	s13 =	simm.s32 $0x4100  }
0x25: {  	[tilespmem:s13], [sflag:$0x1] =	stream.indirect_vreg.gather [hbm:s3], $0x80, v0, vm0, $0x38;
	[tilespmem:$0x8100] =	vst v63  }
0x26: {  	s14 =	simm.s32 $0x4500;
	s31 =	simm.s32 $0x10  }
0x27: {  	[tilespmem:s14], [sflag:$0x1] =	stream.indirect_vreg.gather [hbm:s3], $0x80, v0, vm1, $0x38;
	[tilespmem:$0x8100] =	vst v63  }
0x28: {  	s14 =	simm.s32 $0x80;
	v0 =	vld.msk [tilespmem:s31+$0x80 ss:$0x1], $0xffff  }
.LBB2_5:
0x29: {  	p0 =	sne.s32 s14, $0x1C0;
	_ =	sdelay $0x4  }
0x2a: {  	v1 =	vshll.u32 v0, $0x4  }
0x2b: {  	vm2 =	veq.s32 v0, $0x80000000;
	v0 =	vshll.u32 v0, $0x13;
	v1 =	vand.u32 $0x7FF80, v1  }
0x2c: {  	v0 =	vand.u32 $0x380000, v0;
	v1 =	vsel vm2, $0xFFFFFF80, v1  }
0x2d: {  	v0 =	vsel vm2, $0xFFF80000, v0;
	v2 =	vand.u32 $0xFFFFFC00, v1  }
0x2e: {  	v1 =	vand.u32 $0x380, v1;
	v0 =	vadd.s32 v0, v2  }
0x2f: {  	v0 =	vor.u32 v1, v0  }
0x30: {  	v0 =	vshrl.u32 v0, $0x3;
	_ =	sdelay $0x3  }
.Ltmp4:
0x31: {  	s13 =	sadd.s32 $0x800, s13;
	(pc) =	sbr.rel @p0 .LBB2_5-.Ltmp4, $4  }
0x32: {  	[tilespmem:s13], [sflag:$0x1] =	stream.indirect_vreg.gather [hbm:s3], $0x80, v0, vm0, $0x38;
	[tilespmem:$0x8100] =	vst v63  }
0x33: {  	s15 =	sshra.s32 s14, $0x2;
	s16 =	sadd.s32 $0x400, s13  }
0x34: {  	[tilespmem:s16], [sflag:$0x1] =	stream.indirect_vreg.gather [hbm:s3], $0x80, v0, vm1, $0x38;
	[tilespmem:$0x8100] =	vst v63  }
0x35: {  	s14 =	sadd.s32 $0x40, s14;
	v0 =	vld.msk [tilespmem:s15+$0x80 ss:$0x1], $0xffff  }
0x36: {  	_ =	sdelay $0x3  }
0x37: {  	v1 =	vshll.u32 v0, $0x4  }
0x38: {  	vm2 =	veq.s32 v0, $0x80000000;
	v63 =	vshll.u32 v0, $0x13;
	v1 =	vand.u32 $0x7FF80, v1  }
0x39: {  	v0 =	vand.u32 $0x380000, v63;
	v1 =	vsel vm2, $0xFFFFFF80, v1  }
0x3a: {  	v0 =	vsel vm2, $0xFFF80000, v0;
	v2 =	vand.u32 $0xFFFFFC00, v1  }
0x3b: {  	v1 =	vand.u32 $0x380, v1;
	v0 =	vadd.s32 v0, v2  }
0x3c: {  	v0 =	vor.u32 v1, v0  }
0x3d: {  	v0 =	vshrl.u32 v0, $0x3;
	_ =	sdelay $0x3  }
0x3e: {  	s13 =	sadd.s32 $0x800, s13  }
0x3f: {  	[tilespmem:s13], [sflag:$0x1] =	stream.indirect_vreg.gather [hbm:s3], $0x80, v0, vm0, $0x38;
	[tilespmem:$0x8100] =	vst v63  }
0x40: {  	s13 =	sadd.s32 $0x400, s13  }
0x41: {  	[tilespmem:s13], [sflag:$0x1] =	stream.indirect_vreg.gather [hbm:s3], $0x80, v0, vm1, $0x38;
	[tilespmem:$0x8100] =	vst v63  }
0x42: {  	s12 =	sshll.u32 s12, $0x4;
	s14 =	simm.s32 $0x80;
	_ =	swait.ge [sflag:s4], $0x4000  }
0x43: {  	s15 =	simm.s32 $0x4500;
	s12 =	sadd.s32 s12, s7;
	[sflag:s4] =	ssyncset.done $0x0  }
0x44: {  	s16 =	sadd.s32 $0x0, s12;
	s13 =	simm.s32 $0x4100;
	[sflag:s4] =	ssyncadd.s32 $0xFFFFC000  }
.LBB2_7:
0x45: {  	[hbm:s16] =	stream.linear.scatter [tilespmem:s13], [sflag:$0x3], $0x400, $0x38;
	[tilespmem:$0x8100] =	vst v63  }
0x46: {  	s16 =	smov.u32 s14;
	s13 =	smov.u32 s15;
	p0 =	sne.s32 s14, $0x780  }
.Ltmp5:
0x47: {  	s14 =	sadd.s32 $0x80, s14;
	(pc) =	sbr.rel @p0 .LBB2_7-.Ltmp5, $2  }
0x48: {  	_ =	sdelay $0x2  }
0x49: {  	s15 =	sadd.s32 $0x400, s15;
	s16 =	sadd.s32 s16, s12  }
.Ltmp6:
0x4a: {  	(pc) =	sbr.rel .LBB2_9-.Ltmp6, $2  }
0x4b: {  	_ =	sdelay $0x2  }
0x4c: {  	[hbm:s16] =	stream.linear.scatter [tilespmem:s13], [sflag:$0x3], $0x400, $0x38;
	[tilespmem:$0x8100] =	vst v63  }
.LBB2_2:
.Ltmp7:
0x4d: {  	(pc) =	sbr.rel .LBB2_10-.Ltmp7, $4  }
0x4e: {  	_ = 	snop  }
0x4f: {  	s12 =	sshrl.u32 s11, $0x3  }
0x50: {  	s13 =	sand.u32 $0x7, s11;
	s12 =	sadd.s32 s2, s12  }
0x51: {  	[tilespmem:s9], [sflag:$0x2] =	stream.linear.gather [hbm4b:s12+s13], $0x80, $0x38;
	[tilespmem:$0x8100] =	vst v63  }
.LBB2_11:
0x52: {  	s2 =	simm.s32 $0x3  }
0x53: {  	_ =	swait.ge [sflag:s2], $0x4000  }
0x54: {  	[sflag:s2] =	ssyncset.done $0x0  }
0x55: {  	[sflag:s2] =	ssyncadd.s32 $0xFFFFC000  }
0x56: {  	_ =	sfence.sel $0x180000  }
0x57: {  	s3 =	simm.s32 $0x2;
	[bflag:$0x0] =	sbarrier.arrive $0xFFFF  }
0x58: {  	[sflag:s3] =	ssyncpa.u1 $0x1  }
0x59: {  	s31 =	simm.s32 $0x1;
	[sflag:s2] =	ssyncpa.u1 $0x1  }
0x5a: {  	[sflag:s31] =	ssyncpa.u1 $0x1  }
0x5b: {  	p0 =	sne.s32 s1, $0x0;
	_ =	strace $0x90000047  }
0x5c: {  	s0 =	sadd.s32 @!p0 $0x100000, s0;
	[bflag:$0x2] =	sbarrier.arrive $0xFFFF  }
0x5d: {  	[sflag:s0] =	ssyncadd.tile.s32 @!p0 $0x1;
	_ =	shalt  }
.Lfunc_end2:
_tile_overlayer_lowered:
.L_overlay_start_2:
0x5e: {  	(tag) =	ssettag $0x2  }
0x5f: {  	s0 =	rddreg [dreg:$0x0];
	s2 =	stileid.u32  }
0x60: {  	s1 =	rddreg [dreg:$0x1];
	p0 =	sne.s32 s2, $0x0  }
0x61: {  	s3 =	rddreg [dreg:$0x2];
	[bflag:$0x3] =	sbarrier.arrive $0xFFFF;
	s2 =	simm.s32 @!p0 $0x1C01  }
0x62: {  	[timem:s3], [sflag:s2] =	dma.local @!p0 [hbm:s0], s1  }
0x63: {  	s0 =	simm.s32 @!p0 $0x1  }
0x64: {  	_ =	swait.ge @!p0 [sflag:s0], s1  }
0x65: {  	s1 =	ssub.s32 @!p0 $0x0, s1;
	[sflag:s0] =	ssyncset.done @!p0 $0x0  }
0x66: {  	[sflag:s0] =	ssyncadd.s32 @!p0 s1  }
0x67: {  	[bflag:$0x3] =	sbarrier.arrive $0xFFFF  }
0x68: {  	_ =	shalt  }

</sc_bundles>
